<compile_context>
chip_gen: v7x
topology: tpu7x:2x2x1
jax: 0.10.2.dev20260603
libtpu: 0.0.44.dev20260713+nightly
codegen_flags: <defaults>
</compile_context>

<pallas_src>
import functools

import jax
import jax.numpy as jnp
from jax.experimental import pallas as pl
from jax.experimental.pallas import tpu as pltpu
from jax.experimental.pallas import tpu_sc as plsc

NMS_THR = 0.5
MIN_HEIGHT = 50.0
EPS = 1e-6
N = 5000
G = 128
NP = 5120
TB = 512
W16 = NP // 16
WB = TB // 16


def _pack_body(x1c, y1c, x2c, y2c, x1r, y1r, x2r, y2r, m_ref):
    ib = pl.program_id(0)
    x1i = x1c[...]; y1i = y1c[...]; x2i = x2c[...]; y2i = y2c[...]
    a_i = (x2i - x1i) * (y2i - y1i)
    row_iota = jax.lax.broadcasted_iota(jnp.int32, (TB, TB), 0)
    col_iota = jax.lax.broadcasted_iota(jnp.int32, (TB, TB), 1)
    tri = col_iota > row_iota
    ci = jax.lax.broadcasted_iota(jnp.int32, (TB, WB), 0)
    wi = jax.lax.broadcasted_iota(jnp.int32, (TB, WB), 1)
    pmat = jnp.where((ci // 16) == wi,
                     jnp.left_shift(jnp.int32(1), ci % 16), 0).astype(jnp.bfloat16)

    for jb in range(NP // TB):
        sl = slice(jb * WB, (jb + 1) * WB)

        @pl.when(jb >= ib)
        def _(jb=jb, sl=sl):
            cs = slice(jb * TB, (jb + 1) * TB)
            x1j = x1r[:, cs]; y1j = y1r[:, cs]
            x2j = x2r[:, cs]; y2j = y2r[:, cs]
            a_j = (x2j - x1j) * (y2j - y1j)
            ltx = jnp.maximum(x1i, x1j)
            lty = jnp.maximum(y1i, y1j)
            rbx = jnp.minimum(x2i, x2j)
            rby = jnp.minimum(y2i, y2j)
            wx = jnp.clip(rbx - ltx, 0.0, None)
            wy = jnp.clip(rby - lty, 0.0, None)
            inter = wx * wy
            union = a_i + a_j - inter
            iou = inter / jnp.maximum(union, EPS)
            over = iou > NMS_THR
            if jb == NP // TB - 1:
                over = over & (jb * TB + col_iota < N)
            over = over & (tri | (jb > ib))
            bits = jax.lax.dot_general(over.astype(jnp.bfloat16), pmat,
                                       (((1,), (0,)), ((), ())),
                                       preferred_element_type=jnp.float32)
            m_ref[:, sl] = bits.astype(jnp.int32)

        @pl.when(jb < ib)
        def _(sl=sl):
            m_ref[:, sl] = jnp.zeros((TB, WB), jnp.int32)


def _aux_body(x1r, y1r, x2r, y2r, scr, gir, orr, gx1, gy1, gx2, gy2,
              pl_out, pb_out, kp_out):
    gidx = jax.lax.broadcasted_iota(jnp.int32, (G, 1), 0)
    gi = gir[...]
    eq = gi == gidx
    ggx1 = jnp.sum(jnp.where(eq, gx1[...], 0.0), axis=0, keepdims=True)
    ggy1 = jnp.sum(jnp.where(eq, gy1[...], 0.0), axis=0, keepdims=True)
    ggx2 = jnp.sum(jnp.where(eq, gx2[...], 0.0), axis=0, keepdims=True)
    ggy2 = jnp.sum(jnp.where(eq, gy2[...], 0.0), axis=0, keepdims=True)
    bx1 = x1r[...]; by1 = y1r[...]; bx2 = x2r[...]; by2 = y2r[...]
    area_g = (ggx2 - ggx1) * (ggy2 - ggy1)
    area_b = (bx2 - bx1) * (by2 - by1)
    ltx = jnp.maximum(ggx1, bx1)
    lty = jnp.maximum(ggy1, by1)
    rbx = jnp.minimum(ggx2, bx2)
    rby = jnp.minimum(ggy2, by2)
    wx = jnp.clip(rbx - ltx, 0.0, None)
    wy = jnp.clip(rby - lty, 0.0, None)
    inter = wx * wy
    msi = inter / jnp.maximum(area_g + area_b - inter, EPS)
    msi = jnp.clip(msi, EPS, None)
    pl_out[...] = -jnp.log(jnp.clip(1.0 - NMS_THR + msi, None, 1.0)) * scr[...]
    minf = jnp.float32(-jnp.inf)
    msc = jnp.where(eq, scr[...], minf)
    best = jnp.max(msc, axis=1, keepdims=True)
    cand2 = eq & (msc == best)
    oid = orr[...]
    pi = jnp.min(jnp.where(cand2, oid, N), axis=1, keepdims=True)
    sel = cand2 & (oid == pi)
    sx1 = jnp.sum(jnp.where(sel, bx1, 0.0), axis=1, keepdims=True)
    sy1 = jnp.sum(jnp.where(sel, by1, 0.0), axis=1, keepdims=True)
    sx2 = jnp.sum(jnp.where(sel, bx2, 0.0), axis=1, keepdims=True)
    sy2 = jnp.sum(jnp.where(sel, by2, 0.0), axis=1, keepdims=True)
    g_area = (gx2[...] - gx1[...]) * (gy2[...] - gy1[...])
    s_area = (sx2 - sx1) * (sy2 - sy1)
    ltx2 = jnp.maximum(gx1[...], sx1)
    lty2 = jnp.maximum(gy1[...], sy1)
    rbx2 = jnp.minimum(gx2[...], sx2)
    rby2 = jnp.minimum(gy2[...], sy2)
    wx2 = jnp.clip(rbx2 - ltx2, 0.0, None)
    wy2 = jnp.clip(rby2 - lty2, 0.0, None)
    inter2 = wx2 * wy2
    gsel = inter2 / jnp.maximum(g_area + s_area - inter2, EPS)
    has = jnp.any(eq, axis=1, keepdims=True)
    height = gy2[...] - gy1[...]
    kp_out[...] = (has & (height >= MIN_HEIGHT)).astype(jnp.int32)
    pb_out[...] = jnp.where(has, 1.0 - gsel, 0.0)


def _scan_body(gi_sref, pl_sref, kp_sref, pb_sref, m_ref, out_sref,
               acc_ref, accp_ref, seen_scr):
    def init_g(g, c):
        seen_scr[0, g] = 0
        return c
    jax.lax.fori_loop(0, G, init_g, 0)
    lanes = jax.lax.broadcasted_iota(jnp.int32, (1, W16), 1)
    NW = (N + 15) // 16
    base = lanes * 16
    svalid = jnp.clip(N - base, 0, 16)
    acc_ref[...] = jnp.bitwise_not(
        jnp.left_shift(jnp.int32(1), svalid) - 1) & 0xFFFF
    accp_ref[...] = jnp.zeros((1, W16), jnp.int32)

    def _extract(acc, w):
        return jnp.sum(acc * (lanes == w).astype(jnp.int32))

    def wcond(st):
        return st[0] < NW

    def wbody(st):
        w, word, pcnt, psum, l_cnt, l_pl, l_p = st
        free = jnp.bitwise_not(word) & 0xFFFF

        def advance():
            return (w + 1, _extract(acc_ref[...], w + 1),
                    pcnt, psum, l_cnt, l_pl, l_p)

        def pick():
            low = free & (-free)
            b = (jax.lax.bitcast_convert_type(
                low.astype(jnp.float32), jnp.int32) >> 23) - 127
            p = w * 16 + b
            gv = gi_sref[0, p]
            counted = seen_scr[0, gv]
            seen_scr[0, gv] = 1
            acc = acc_ref[...]
            row = m_ref[pl.ds(p, 1), :]
            accp_ref[...] = acc
            acc_new = acc | row
            acc_ref[...] = acc_new
            word2 = _extract(acc_new, w) | word | low
            plv = pl_sref[0, p]
            keptc = (counted > 0).astype(jnp.int32)
            return (w, word2, pcnt + keptc,
                    psum + jnp.where(keptc > 0, plv, 0.0),
                    keptc, plv, p)

        return jax.lax.cond(free == 0, advance, pick)

    _, _, pcnt, psum, l_cnt, l_pl, l_p = jax.lax.while_loop(
        wcond, wbody,
        (jnp.int32(0), _extract(acc_ref[...], 0),
         jnp.int32(0), jnp.float32(0.0),
         jnp.int32(0), jnp.float32(0.0), jnp.int32(0)))
    accp = accp_ref[...]
    base = lanes * 16
    s1 = jnp.clip((l_p + 1) - base, 0, 16)
    mask_lo = jnp.left_shift(jnp.int32(0xFFFF), s1) & 0xFFFF
    s2 = jnp.clip(N - base, 0, 16)
    mask_hi = jnp.left_shift(jnp.int32(1), s2) - 1
    zeros_alive = jnp.bitwise_not(accp) & (mask_lo & mask_hi)
    l_rem = jnp.max(zeros_alive) > 0
    total_pull = psum - jnp.where((l_cnt > 0) & (~l_rem), l_pl, 0.0)
    pull_loss = total_pull / (pcnt.astype(jnp.float32) + EPS)

    def pg(g, c):
        tp, pc = c
        k = (kp_sref[g, 0] > 0) & (seen_scr[0, g] == 0)
        tp = tp + jnp.where(k, pb_sref[g, 0], 0.0)
        pc = pc + jnp.where(k, 1, 0).astype(jnp.int32)
        return tp, pc

    total_push, push_cnt = jax.lax.fori_loop(
        0, G, pg, (jnp.float32(0.0), jnp.int32(0)))
    push_loss = total_push / (push_cnt.astype(jnp.float32) + EPS)
    out_sref[0, 0] = push_loss
    out_sref[0, 1] = pull_loss


_SC_WORKERS = 32
_BPW = NP // _SC_WORKERS


def _sc_gather_call(c0, c1, c2, c3, c4, c5, idx):
    mesh = plsc.VectorSubcoreMesh(core_axis_name="c", subcore_axis_name="s")
    vec = jax.ShapeDtypeStruct((NP,), jnp.float32)

    @functools.partial(
        pl.kernel, mesh=mesh,
        out_type=[vec] * 6,
        scratch_types=[
            pltpu.VMEM((_BPW,), jnp.int32),
            pltpu.VMEM((_BPW,), jnp.float32),
            pltpu.SemaphoreType.DMA,
        ],
    )
    def k(s0, s1, s2, s3, s4, s5, idx_hbm, o0, o1, o2, o3, o4, o5,
          idx_v, col_v, sem):
        wid = jax.lax.axis_index("s") * 2 + jax.lax.axis_index("c")
        base = wid * _BPW
        pltpu.sync_copy(idx_hbm.at[pl.ds(base, _BPW)], idx_v)
        for src, dst in ((s0, o0), (s1, o1), (s2, o2),
                         (s3, o3), (s4, o4), (s5, o5)):
            pltpu.async_copy(src.at[idx_v], col_v, sem).wait()
            pltpu.sync_copy(col_v, dst.at[pl.ds(base, _BPW)])

    return k(c0, c1, c2, c3, c4, c5, idx)


def _pack_call(x1c, y1c, x2c, y2c, x1r, y1r, x2r, y2r):
    col = pl.BlockSpec((TB, 1), lambda i: (i, 0))
    row = pl.BlockSpec((1, NP), lambda i: (0, 0))
    return pl.pallas_call(
        _pack_body,
        grid=(NP // TB,),
        in_specs=[col, col, col, col, row, row, row, row],
        out_specs=pl.BlockSpec((TB, W16), lambda i: (i, 0)),
        out_shape=jax.ShapeDtypeStruct((NP, W16), jnp.int32),
    )(x1c, y1c, x2c, y2c, x1r, y1r, x2r, y2r)


def _aux_call(x1r, y1r, x2r, y2r, scr, gir, orr, gx1, gy1, gx2, gy2):
    return pl.pallas_call(
        _aux_body,
        in_specs=[pl.BlockSpec()] * 11,
        out_specs=[pl.BlockSpec(), pl.BlockSpec(), pl.BlockSpec()],
        out_shape=[
            jax.ShapeDtypeStruct((1, NP), jnp.float32),
            jax.ShapeDtypeStruct((G, 1), jnp.float32),
            jax.ShapeDtypeStruct((G, 1), jnp.int32),
        ],
    )(x1r, y1r, x2r, y2r, scr, gir, orr, gx1, gy1, gx2, gy2)


def _scan_call(gir, plv, kp, pb, m):
    smem = pl.BlockSpec(memory_space=pltpu.SMEM)
    return pl.pallas_call(
        _scan_body,
        in_specs=[smem, smem, smem, smem, pl.BlockSpec()],
        out_specs=smem,
        out_shape=jax.ShapeDtypeStruct((1, 2), jnp.float32),
        scratch_shapes=[
            pltpu.VMEM((1, W16), jnp.int32),
            pltpu.VMEM((1, W16), jnp.int32),
            pltpu.SMEM((1, G), jnp.int32),
        ],
    )(gir, plv, kp, pb, m)


def kernel(gt_inds, anchor_gt_inds, gt_bboxes, proposal_list):
    del gt_inds
    gi0 = anchor_gt_inds[0].astype(jnp.int32)
    props = proposal_list[0]
    gtb = gt_bboxes[0]
    scores = props[:, 4]
    order = jnp.argsort(scores)[::-1].astype(jnp.int32)
    pad = NP - N
    x1u = jnp.pad(props[:, 0], (0, pad))
    y1u = jnp.pad(props[:, 1], (0, pad))
    x2u = jnp.pad(props[:, 2], (0, pad))
    y2u = jnp.pad(props[:, 3], (0, pad))
    scu = jnp.pad(props[:, 4], (0, pad))
    giu = jnp.pad(gi0.astype(jnp.float32), (0, pad), constant_values=-1.0)
    orp = jnp.pad(order, (0, pad), constant_values=N)
    x1, y1, x2, y2, sc, gif = _sc_gather_call(x1u, y1u, x2u, y2u, scu, giu, orp)
    gip = gif.astype(jnp.int32)
    x1c, y1c, x2c, y2c = (a[:, None] for a in (x1, y1, x2, y2))
    x1r, y1r, x2r, y2r, scr = (a[None, :] for a in (x1, y1, x2, y2, sc))
    gir = gip[None, :]
    orr = orp[None, :]
    gx1, gy1, gx2, gy2 = (gtb[:, k][:, None] for k in range(4))

    m = _pack_call(x1c, y1c, x2c, y2c, x1r, y1r, x2r, y2r)
    plv, pb, kp = _aux_call(x1r, y1r, x2r, y2r, scr, gir, orr, gx1, gy1, gx2, gy2)
    out = _scan_call(gir, plv, kp, pb, m)
    return out[0, :]

# --- scband reference (transcript-rebuilt; emitter-appended) ---
"""Pipeline reference for scband-nmsloss4-87136296501789 (READ-ONLY COPY).

The authoritative reference and input builder live on the scoring server;
editing this copy changes nothing except your own understanding.
"""

import jax, jax.numpy as jnp
import numpy as np

NMS_THR = 0.5
MIN_HEIGHT = 50.0
PULL_WEIGHT = 1.0
PUSH_WEIGHT = 1.0
EPS = 1e-6
N = 5000
G = 128


def bbox_overlaps_np(a, b):
    a = np.asarray(a, dtype=np.float32)
    b = np.asarray(b, dtype=np.float32)
    area_a = (a[:, 2] - a[:, 0]) * (a[:, 3] - a[:, 1])
    area_b = (b[:, 2] - b[:, 0]) * (b[:, 3] - b[:, 1])
    lt = np.maximum(a[:, None, :2], b[None, :, :2])
    rb = np.minimum(a[:, None, 2:4], b[None, :, 2:4])
    wh = np.clip(rb - lt, 0.0, None)
    inter = wh[..., 0] * wh[..., 1]
    union = area_a[:, None] + area_b[None, :] - inter
    return inter / np.maximum(union, EPS)


def bbox_overlaps_jnp(a, b):
    area_a = (a[:, 2] - a[:, 0]) * (a[:, 3] - a[:, 1])
    area_b = (b[:, 2] - b[:, 0]) * (b[:, 3] - b[:, 1])
    lt = jnp.maximum(a[:, None, :2], b[None, :, :2])
    rb = jnp.minimum(a[:, None, 2:4], b[None, :, 2:4])
    wh = jnp.clip(rb - lt, 0.0, None)
    inter = wh[..., 0] * wh[..., 1]
    union = area_a[:, None] + area_b[None, :] - inter
    return inter / jnp.maximum(union, EPS)


def setup_inputs(seed: int = 0):
    key = jax.random.key(seed)
    ks = jax.random.split(key, 8)
    cx = jax.random.uniform(ks[0], (G,), minval=100.0, maxval=900.0)
    cy = jax.random.uniform(ks[1], (G,), minval=100.0, maxval=900.0)
    w = jax.random.uniform(ks[2], (G,), minval=20.0, maxval=250.0)
    h = jax.random.uniform(ks[3], (G,), minval=20.0, maxval=250.0)
    gt = jnp.stack([cx - w / 2.0, cy - h / 2.0, cx + w / 2.0, cy + h / 2.0], axis=1)
    anchor_gt_inds = jax.random.randint(ks[4], (1, N), 0, G)
    gt_inds = anchor_gt_inds
    assigned = gt[anchor_gt_inds[0]]
    jitter = jax.random.normal(ks[5], (N, 4)) * 8.0
    boxes = assigned + jitter
    scores = jax.random.uniform(ks[6], (N, 1))
    proposal_list = jnp.concatenate([boxes, scores], axis=1)[None]
    gt_bboxes = gt[None]
    return {"gt_inds": gt_inds, "anchor_gt_inds": anchor_gt_inds, "gt_bboxes": gt_bboxes, "proposal_list": proposal_list}


def _nms_decisions(gi_p, props_np, gtb_np):
    scores = props_np[:, 4]
    order = np.argsort(scores, kind="stable")
    iou_np = bbox_overlaps_np(props_np[:, :4], props_np[:, :4])
    idx = list(order)
    max_rec = {}
    pull_pairs = []
    pull_cnt = 0
    while len(idx) > 0:
        i = int(idx.pop())
        gv = int(gi_p[i])
        counted = gv in max_rec
        if counted:
            pull_cnt += 1
        else:
            max_rec[gv] = i
        if len(idx) == 0:
            break
        if counted:
            pull_pairs.append((gv, i))
        cur = iou_np[i, np.array(idx, dtype=np.int64)]
        idx = [j for j, m in zip(idx, cur <= NMS_THR) if m]
    push_rec = {}
    for i in range(len(gi_p)):
        gv = int(gi_p[i])
        if gv in push_rec:
            if scores[push_rec[gv]] < scores[i]:
                push_rec[gv] = i
        else:
            push_rec[gv] = i
    push_pairs = []
    for gv, pi in push_rec.items():
        height = gtb_np[gv, 3] - gtb_np[gv, 1]
        if height < MIN_HEIGHT or gv in max_rec:
            continue
        push_pairs.append((gv, int(pi)))
    return pull_pairs, pull_cnt, push_pairs


def reference(gt_inds, anchor_gt_inds, gt_bboxes, proposal_list):
    # img_num == 1; single_nms_loss overwrites gt_inds with anchor_gt_inds
    gi = anchor_gt_inds[0]
    props = proposal_list[0]
    gtb = gt_bboxes[0]
    tmp_zero = jnp.mean(props).astype(jnp.float32) * 0.0
    n = gi.shape[0]
    g = gtb.shape[0]
    valid = gi >= 0
    scores = props[:, 4]
    arange_n = jnp.arange(n)
    arange_g = jnp.arange(g)
    iou = bbox_overlaps_jnp(props[:, :4], props[:, :4])
    gpi = bbox_overlaps_jnp(gtb, props[:, :4])

    def body(_, state):
        alive, seen, pull_cnt, pull_sel = state
        any_alive = jnp.any(alive)
        masked = jnp.where(alive, scores, -jnp.inf)
        m = jnp.max(masked)
        cand = alive & (masked == m)
        i = jnp.max(jnp.where(cand, arange_n, -1))
        gv = gi[i]
        counted = seen[gv]
        popped = alive.at[i].set(False)
        remaining = jnp.any(popped)
        new_alive = popped & (iou[i] <= NMS_THR)
        pull_cnt = pull_cnt + jnp.where(any_alive & counted, jnp.int32(1), jnp.int32(0))
        seen = jnp.where(any_alive, seen.at[gv].set(True), seen)
        pull_sel = jnp.where(any_alive & counted & remaining, pull_sel.at[i].set(True), pull_sel)
        alive = jnp.where(any_alive, new_alive, alive)
        return alive, seen, pull_cnt, pull_sel

    state0 = (valid, jnp.zeros((g,), dtype=bool), jnp.int32(0), jnp.zeros((n,), dtype=bool))
    _, seen, pull_cnt, pull_sel = jax.lax.fori_loop(0, n, body, state0)

    msi = jnp.clip(gpi[gi, arange_n], EPS, None)
    pl = -jnp.log(jnp.clip(1.0 - NMS_THR + msi, None, 1.0)) * jax.lax.stop_gradient(scores)
    total_pull = jnp.sum(jnp.where(pull_sel, pl, 0.0)) + tmp_zero

    eq = valid[None, :] & (gi[None, :] == arange_g[:, None])
    msc = jnp.where(eq, scores[None, :], -jnp.inf)
    best = jnp.max(msc, axis=1)
    cand2 = eq & (msc == best[:, None])
    pi = jnp.min(jnp.where(cand2, arange_n[None, :], n), axis=1)
    has = jnp.any(eq, axis=1)
    height = gtb[:, 3] - gtb[:, 1]
    keep = has & (height >= MIN_HEIGHT) & (~seen)
    pi_safe = jnp.clip(pi, 0, n - 1)
    total_push = jnp.sum(jnp.where(keep, 1.0 - gpi[arange_g, pi_safe], 0.0)) + tmp_zero
    push_cnt = jnp.sum(keep)

    pull_loss = total_pull / (pull_cnt + EPS)
    push_loss = total_push / (push_cnt + EPS)
    # returns [nms_push_loss, nms_pull_loss] stacked (torch returns a dict)
    return jnp.stack([push_loss * PUSH_WEIGHT, pull_loss * PULL_WEIGHT])

if __name__ == "__main__":
    import jax
    _d = setup_inputs()
    print(jax.jit(kernel)(*tuple(_d.values())))

</pallas_src>

<mosaic_0001>
#map = affine_map<(d0, d1) -> (0)>
module attributes {stable_mosaic.version = 14 : i64} {
  func.func @k(%arg0: i32, %arg1: i32, %arg2: memref<5120xf32, #tpu.memory_space<hbm>>, %arg3: memref<5120xf32, #tpu.memory_space<hbm>>, %arg4: memref<5120xf32, #tpu.memory_space<hbm>>, %arg5: memref<5120xf32, #tpu.memory_space<hbm>>, %arg6: memref<5120xf32, #tpu.memory_space<hbm>>, %arg7: memref<5120xf32, #tpu.memory_space<hbm>>, %arg8: memref<5120xi32, #tpu.memory_space<hbm>>, %arg9: memref<5120xf32, #tpu.memory_space<hbm>>, %arg10: memref<5120xf32, #tpu.memory_space<hbm>>, %arg11: memref<5120xf32, #tpu.memory_space<hbm>>, %arg12: memref<5120xf32, #tpu.memory_space<hbm>>, %arg13: memref<5120xf32, #tpu.memory_space<hbm>>, %arg14: memref<5120xf32, #tpu.memory_space<hbm>>, %arg15: memref<160xi32, #tpu.memory_space<vmem>>, %arg16: memref<160xf32, #tpu.memory_space<vmem>>, %arg17: memref<!tpu.dma_semaphore, #tpu.memory_space<semaphore_mem>>) attributes {dimension_semantics = [#tpu.dimension_semantics<core_parallel>, #tpu.dimension_semantics<subcore_parallel>], iteration_bounds = array<i64: 2, 16>, scalar_prefetch = 0 : i64, scratch_operands = 3 : i64, tpu.core_type = #tpu.core_type<sc_vector_subcore>, window_params = [{transform_indices = #map}, {transform_indices = #map}, {transform_indices = #map}, {transform_indices = #map}, {transform_indices = #map}, {transform_indices = #map}, {transform_indices = #map}, {transform_indices = #map}, {transform_indices = #map}, {transform_indices = #map}, {transform_indices = #map}, {transform_indices = #map}, {transform_indices = #map}]} {
    %mul3A = arith.constant 2 : i32
    %mul3A_0 = arith.muli %arg1, %mul3A : i32
    %add3A = arith.addi %mul3A_0, %arg0 : i32
    %mul3A_1 = arith.constant 160 : i32
    %mul3A_2 = arith.muli %add3A, %mul3A_1 : i32
    "tpu.region"() ({
      %run_scoped3A = tpu.sem_alloc : memref<!tpu.dma_semaphore, #tpu.memory_space<semaphore_mem>>
      %dma_start3A_25 = tpu.memref_slice %arg8[%mul3A_2] : memref<5120xi32, #tpu.memory_space<hbm>> -> memref<160xi32, #tpu.memory_space<hbm>>
      %dma_start3A_26 = tpu.memref_slice %arg8[%mul3A_2] : memref<5120xi32, #tpu.memory_space<hbm>> -> memref<160xi32, #tpu.memory_space<hbm>>
      tpu.enqueue_dma source(%dma_start3A_26 : memref<160xi32, #tpu.memory_space<hbm>>) target(%arg15 : memref<160xi32, #tpu.memory_space<vmem>>) target_semaphore(%run_scoped3A : memref<!tpu.dma_semaphore, #tpu.memory_space<semaphore_mem>>)
      %dma_wait3A_27 = tpu.memref_slice %arg8[%mul3A_2] : memref<5120xi32, #tpu.memory_space<hbm>> -> memref<160xi32, #tpu.memory_space<hbm>>
      %dma_wait3A_28 = tpu.memref_slice %arg8[%mul3A_2] : memref<5120xi32, #tpu.memory_space<hbm>> -> memref<160xi32, #tpu.memory_space<hbm>>
      tpu.wait_dma2 semaphore(%run_scoped3A : memref<!tpu.dma_semaphore, #tpu.memory_space<semaphore_mem>>) src(%dma_wait3A_28 : memref<160xi32, #tpu.memory_space<hbm>>) dst(%arg15 : memref<160xi32, #tpu.memory_space<vmem>>)
      tpu.yield
    }) : () -> ()
    %dma_start3A = arith.constant 0 : i32
    %dma_start3A_3 = tpu.memref_slice %arg2[%dma_start3A] : memref<5120xf32, #tpu.memory_space<hbm>> -> memref<5120xf32, #tpu.memory_space<hbm>>
    tpu.enqueue_indirect_dma source(%dma_start3A_3 : memref<5120xf32, #tpu.memory_space<hbm>>) target(%arg16 : memref<160xf32, #tpu.memory_space<vmem>>) offsets(%arg15 : memref<160xi32, #tpu.memory_space<vmem>>) semaphore(%arg17 : memref<!tpu.dma_semaphore, #tpu.memory_space<semaphore_mem>>)
    %dma_wait3A = arith.constant 0 : i32
    %dma_wait3A_4 = tpu.memref_slice %arg2[%dma_wait3A] : memref<5120xf32, #tpu.memory_space<hbm>> -> memref<5120xf32, #tpu.memory_space<hbm>>
    tpu.wait_indirect_dma semaphore(%arg17 : memref<!tpu.dma_semaphore, #tpu.memory_space<semaphore_mem>>) src(%dma_wait3A_4 : memref<5120xf32, #tpu.memory_space<hbm>>) dst(%arg16 : memref<160xf32, #tpu.memory_space<vmem>>)
    "tpu.region"() ({
      %run_scoped3A = tpu.sem_alloc : memref<!tpu.dma_semaphore, #tpu.memory_space<semaphore_mem>>
      %dma_start3A_25 = tpu.memref_slice %arg9[%mul3A_2] : memref<5120xf32, #tpu.memory_space<hbm>> -> memref<160xf32, #tpu.memory_space<hbm>>
      %dma_start3A_26 = tpu.memref_slice %arg9[%mul3A_2] : memref<5120xf32, #tpu.memory_space<hbm>> -> memref<160xf32, #tpu.memory_space<hbm>>
      tpu.enqueue_dma source(%arg16 : memref<160xf32, #tpu.memory_space<vmem>>) target(%dma_start3A_26 : memref<160xf32, #tpu.memory_space<hbm>>) target_semaphore(%run_scoped3A : memref<!tpu.dma_semaphore, #tpu.memory_space<semaphore_mem>>)
      %dma_wait3A_27 = tpu.memref_slice %arg9[%mul3A_2] : memref<5120xf32, #tpu.memory_space<hbm>> -> memref<160xf32, #tpu.memory_space<hbm>>
      %dma_wait3A_28 = tpu.memref_slice %arg9[%mul3A_2] : memref<5120xf32, #tpu.memory_space<hbm>> -> memref<160xf32, #tpu.memory_space<hbm>>
      tpu.wait_dma2 semaphore(%run_scoped3A : memref<!tpu.dma_semaphore, #tpu.memory_space<semaphore_mem>>) src(%arg16 : memref<160xf32, #tpu.memory_space<vmem>>) dst(%dma_wait3A_28 : memref<160xf32, #tpu.memory_space<hbm>>)
      tpu.yield
    }) : () -> ()
    %dma_start3A_5 = arith.constant 0 : i32
    %dma_start3A_6 = tpu.memref_slice %arg3[%dma_start3A_5] : memref<5120xf32, #tpu.memory_space<hbm>> -> memref<5120xf32, #tpu.memory_space<hbm>>
    tpu.enqueue_indirect_dma source(%dma_start3A_6 : memref<5120xf32, #tpu.memory_space<hbm>>) target(%arg16 : memref<160xf32, #tpu.memory_space<vmem>>) offsets(%arg15 : memref<160xi32, #tpu.memory_space<vmem>>) semaphore(%arg17 : memref<!tpu.dma_semaphore, #tpu.memory_space<semaphore_mem>>)
    %dma_wait3A_7 = arith.constant 0 : i32
    %dma_wait3A_8 = tpu.memref_slice %arg3[%dma_wait3A_7] : memref<5120xf32, #tpu.memory_space<hbm>> -> memref<5120xf32, #tpu.memory_space<hbm>>
    tpu.wait_indirect_dma semaphore(%arg17 : memref<!tpu.dma_semaphore, #tpu.memory_space<semaphore_mem>>) src(%dma_wait3A_8 : memref<5120xf32, #tpu.memory_space<hbm>>) dst(%arg16 : memref<160xf32, #tpu.memory_space<vmem>>)
    "tpu.region"() ({
      %run_scoped3A = tpu.sem_alloc : memref<!tpu.dma_semaphore, #tpu.memory_space<semaphore_mem>>
      %dma_start3A_25 = tpu.memref_slice %arg10[%mul3A_2] : memref<5120xf32, #tpu.memory_space<hbm>> -> memref<160xf32, #tpu.memory_space<hbm>>
      %dma_start3A_26 = tpu.memref_slice %arg10[%mul3A_2] : memref<5120xf32, #tpu.memory_space<hbm>> -> memref<160xf32, #tpu.memory_space<hbm>>
      tpu.enqueue_dma source(%arg16 : memref<160xf32, #tpu.memory_space<vmem>>) target(%dma_start3A_26 : memref<160xf32, #tpu.memory_space<hbm>>) target_semaphore(%run_scoped3A : memref<!tpu.dma_semaphore, #tpu.memory_space<semaphore_mem>>)
      %dma_wait3A_27 = tpu.memref_slice %arg10[%mul3A_2] : memref<5120xf32, #tpu.memory_space<hbm>> -> memref<160xf32, #tpu.memory_space<hbm>>
      %dma_wait3A_28 = tpu.memref_slice %arg10[%mul3A_2] : memref<5120xf32, #tpu.memory_space<hbm>> -> memref<160xf32, #tpu.memory_space<hbm>>
      tpu.wait_dma2 semaphore(%run_scoped3A : memref<!tpu.dma_semaphore, #tpu.memory_space<semaphore_mem>>) src(%arg16 : memref<160xf32, #tpu.memory_space<vmem>>) dst(%dma_wait3A_28 : memref<160xf32, #tpu.memory_space<hbm>>)
      tpu.yield
    }) : () -> ()
    %dma_start3A_9 = arith.constant 0 : i32
    %dma_start3A_10 = tpu.memref_slice %arg4[%dma_start3A_9] : memref<5120xf32, #tpu.memory_space<hbm>> -> memref<5120xf32, #tpu.memory_space<hbm>>
    tpu.enqueue_indirect_dma source(%dma_start3A_10 : memref<5120xf32, #tpu.memory_space<hbm>>) target(%arg16 : memref<160xf32, #tpu.memory_space<vmem>>) offsets(%arg15 : memref<160xi32, #tpu.memory_space<vmem>>) semaphore(%arg17 : memref<!tpu.dma_semaphore, #tpu.memory_space<semaphore_mem>>)
    %dma_wait3A_11 = arith.constant 0 : i32
    %dma_wait3A_12 = tpu.memref_slice %arg4[%dma_wait3A_11] : memref<5120xf32, #tpu.memory_space<hbm>> -> memref<5120xf32, #tpu.memory_space<hbm>>
    tpu.wait_indirect_dma semaphore(%arg17 : memref<!tpu.dma_semaphore, #tpu.memory_space<semaphore_mem>>) src(%dma_wait3A_12 : memref<5120xf32, #tpu.memory_space<hbm>>) dst(%arg16 : memref<160xf32, #tpu.memory_space<vmem>>)
    "tpu.region"() ({
      %run_scoped3A = tpu.sem_alloc : memref<!tpu.dma_semaphore, #tpu.memory_space<semaphore_mem>>
      %dma_start3A_25 = tpu.memref_slice %arg11[%mul3A_2] : memref<5120xf32, #tpu.memory_space<hbm>> -> memref<160xf32, #tpu.memory_space<hbm>>
      %dma_start3A_26 = tpu.memref_slice %arg11[%mul3A_2] : memref<5120xf32, #tpu.memory_space<hbm>> -> memref<160xf32, #tpu.memory_space<hbm>>
      tpu.enqueue_dma source(%arg16 : memref<160xf32, #tpu.memory_space<vmem>>) target(%dma_start3A_26 : memref<160xf32, #tpu.memory_space<hbm>>) target_semaphore(%run_scoped3A : memref<!tpu.dma_semaphore, #tpu.memory_space<semaphore_mem>>)
      %dma_wait3A_27 = tpu.memref_slice %arg11[%mul3A_2] : memref<5120xf32, #tpu.memory_space<hbm>> -> memref<160xf32, #tpu.memory_space<hbm>>
      %dma_wait3A_28 = tpu.memref_slice %arg11[%mul3A_2] : memref<5120xf32, #tpu.memory_space<hbm>> -> memref<160xf32, #tpu.memory_space<hbm>>
      tpu.wait_dma2 semaphore(%run_scoped3A : memref<!tpu.dma_semaphore, #tpu.memory_space<semaphore_mem>>) src(%arg16 : memref<160xf32, #tpu.memory_space<vmem>>) dst(%dma_wait3A_28 : memref<160xf32, #tpu.memory_space<hbm>>)
      tpu.yield
    }) : () -> ()
    %dma_start3A_13 = arith.constant 0 : i32
    %dma_start3A_14 = tpu.memref_slice %arg5[%dma_start3A_13] : memref<5120xf32, #tpu.memory_space<hbm>> -> memref<5120xf32, #tpu.memory_space<hbm>>
    tpu.enqueue_indirect_dma source(%dma_start3A_14 : memref<5120xf32, #tpu.memory_space<hbm>>) target(%arg16 : memref<160xf32, #tpu.memory_space<vmem>>) offsets(%arg15 : memref<160xi32, #tpu.memory_space<vmem>>) semaphore(%arg17 : memref<!tpu.dma_semaphore, #tpu.memory_space<semaphore_mem>>)
    %dma_wait3A_15 = arith.constant 0 : i32
    %dma_wait3A_16 = tpu.memref_slice %arg5[%dma_wait3A_15] : memref<5120xf32, #tpu.memory_space<hbm>> -> memref<5120xf32, #tpu.memory_space<hbm>>
    tpu.wait_indirect_dma semaphore(%arg17 : memref<!tpu.dma_semaphore, #tpu.memory_space<semaphore_mem>>) src(%dma_wait3A_16 : memref<5120xf32, #tpu.memory_space<hbm>>) dst(%arg16 : memref<160xf32, #tpu.memory_space<vmem>>)
    "tpu.region"() ({
      %run_scoped3A = tpu.sem_alloc : memref<!tpu.dma_semaphore, #tpu.memory_space<semaphore_mem>>
      %dma_start3A_25 = tpu.memref_slice %arg12[%mul3A_2] : memref<5120xf32, #tpu.memory_space<hbm>> -> memref<160xf32, #tpu.memory_space<hbm>>
      %dma_start3A_26 = tpu.memref_slice %arg12[%mul3A_2] : memref<5120xf32, #tpu.memory_space<hbm>> -> memref<160xf32, #tpu.memory_space<hbm>>
      tpu.enqueue_dma source(%arg16 : memref<160xf32, #tpu.memory_space<vmem>>) target(%dma_start3A_26 : memref<160xf32, #tpu.memory_space<hbm>>) target_semaphore(%run_scoped3A : memref<!tpu.dma_semaphore, #tpu.memory_space<semaphore_mem>>)
      %dma_wait3A_27 = tpu.memref_slice %arg12[%mul3A_2] : memref<5120xf32, #tpu.memory_space<hbm>> -> memref<160xf32, #tpu.memory_space<hbm>>
      %dma_wait3A_28 = tpu.memref_slice %arg12[%mul3A_2] : memref<5120xf32, #tpu.memory_space<hbm>> -> memref<160xf32, #tpu.memory_space<hbm>>
      tpu.wait_dma2 semaphore(%run_scoped3A : memref<!tpu.dma_semaphore, #tpu.memory_space<semaphore_mem>>) src(%arg16 : memref<160xf32, #tpu.memory_space<vmem>>) dst(%dma_wait3A_28 : memref<160xf32, #tpu.memory_space<hbm>>)
      tpu.yield
    }) : () -> ()
    %dma_start3A_17 = arith.constant 0 : i32
    %dma_start3A_18 = tpu.memref_slice %arg6[%dma_start3A_17] : memref<5120xf32, #tpu.memory_space<hbm>> -> memref<5120xf32, #tpu.memory_space<hbm>>
    tpu.enqueue_indirect_dma source(%dma_start3A_18 : memref<5120xf32, #tpu.memory_space<hbm>>) target(%arg16 : memref<160xf32, #tpu.memory_space<vmem>>) offsets(%arg15 : memref<160xi32, #tpu.memory_space<vmem>>) semaphore(%arg17 : memref<!tpu.dma_semaphore, #tpu.memory_space<semaphore_mem>>)
    %dma_wait3A_19 = arith.constant 0 : i32
    %dma_wait3A_20 = tpu.memref_slice %arg6[%dma_wait3A_19] : memref<5120xf32, #tpu.memory_space<hbm>> -> memref<5120xf32, #tpu.memory_space<hbm>>
    tpu.wait_indirect_dma semaphore(%arg17 : memref<!tpu.dma_semaphore, #tpu.memory_space<semaphore_mem>>) src(%dma_wait3A_20 : memref<5120xf32, #tpu.memory_space<hbm>>) dst(%arg16 : memref<160xf32, #tpu.memory_space<vmem>>)
    "tpu.region"() ({
      %run_scoped3A = tpu.sem_alloc : memref<!tpu.dma_semaphore, #tpu.memory_space<semaphore_mem>>
      %dma_start3A_25 = tpu.memref_slice %arg13[%mul3A_2] : memref<5120xf32, #tpu.memory_space<hbm>> -> memref<160xf32, #tpu.memory_space<hbm>>
      %dma_start3A_26 = tpu.memref_slice %arg13[%mul3A_2] : memref<5120xf32, #tpu.memory_space<hbm>> -> memref<160xf32, #tpu.memory_space<hbm>>
      tpu.enqueue_dma source(%arg16 : memref<160xf32, #tpu.memory_space<vmem>>) target(%dma_start3A_26 : memref<160xf32, #tpu.memory_space<hbm>>) target_semaphore(%run_scoped3A : memref<!tpu.dma_semaphore, #tpu.memory_space<semaphore_mem>>)
      %dma_wait3A_27 = tpu.memref_slice %arg13[%mul3A_2] : memref<5120xf32, #tpu.memory_space<hbm>> -> memref<160xf32, #tpu.memory_space<hbm>>
      %dma_wait3A_28 = tpu.memref_slice %arg13[%mul3A_2] : memref<5120xf32, #tpu.memory_space<hbm>> -> memref<160xf32, #tpu.memory_space<hbm>>
      tpu.wait_dma2 semaphore(%run_scoped3A : memref<!tpu.dma_semaphore, #tpu.memory_space<semaphore_mem>>) src(%arg16 : memref<160xf32, #tpu.memory_space<vmem>>) dst(%dma_wait3A_28 : memref<160xf32, #tpu.memory_space<hbm>>)
      tpu.yield
    }) : () -> ()
    %dma_start3A_21 = arith.constant 0 : i32
    %dma_start3A_22 = tpu.memref_slice %arg7[%dma_start3A_21] : memref<5120xf32, #tpu.memory_space<hbm>> -> memref<5120xf32, #tpu.memory_space<hbm>>
    tpu.enqueue_indirect_dma source(%dma_start3A_22 : memref<5120xf32, #tpu.memory_space<hbm>>) target(%arg16 : memref<160xf32, #tpu.memory_space<vmem>>) offsets(%arg15 : memref<160xi32, #tpu.memory_space<vmem>>) semaphore(%arg17 : memref<!tpu.dma_semaphore, #tpu.memory_space<semaphore_mem>>)
    %dma_wait3A_23 = arith.constant 0 : i32
    %dma_wait3A_24 = tpu.memref_slice %arg7[%dma_wait3A_23] : memref<5120xf32, #tpu.memory_space<hbm>> -> memref<5120xf32, #tpu.memory_space<hbm>>
    tpu.wait_indirect_dma semaphore(%arg17 : memref<!tpu.dma_semaphore, #tpu.memory_space<semaphore_mem>>) src(%dma_wait3A_24 : memref<5120xf32, #tpu.memory_space<hbm>>) dst(%arg16 : memref<160xf32, #tpu.memory_space<vmem>>)
    "tpu.region"() ({
      %run_scoped3A = tpu.sem_alloc : memref<!tpu.dma_semaphore, #tpu.memory_space<semaphore_mem>>
      %dma_start3A_25 = tpu.memref_slice %arg14[%mul3A_2] : memref<5120xf32, #tpu.memory_space<hbm>> -> memref<160xf32, #tpu.memory_space<hbm>>
      %dma_start3A_26 = tpu.memref_slice %arg14[%mul3A_2] : memref<5120xf32, #tpu.memory_space<hbm>> -> memref<160xf32, #tpu.memory_space<hbm>>
      tpu.enqueue_dma source(%arg16 : memref<160xf32, #tpu.memory_space<vmem>>) target(%dma_start3A_26 : memref<160xf32, #tpu.memory_space<hbm>>) target_semaphore(%run_scoped3A : memref<!tpu.dma_semaphore, #tpu.memory_space<semaphore_mem>>)
      %dma_wait3A_27 = tpu.memref_slice %arg14[%mul3A_2] : memref<5120xf32, #tpu.memory_space<hbm>> -> memref<160xf32, #tpu.memory_space<hbm>>
      %dma_wait3A_28 = tpu.memref_slice %arg14[%mul3A_2] : memref<5120xf32, #tpu.memory_space<hbm>> -> memref<160xf32, #tpu.memory_space<hbm>>
      tpu.wait_dma2 semaphore(%run_scoped3A : memref<!tpu.dma_semaphore, #tpu.memory_space<semaphore_mem>>) src(%arg16 : memref<160xf32, #tpu.memory_space<vmem>>) dst(%dma_wait3A_28 : memref<160xf32, #tpu.memory_space<hbm>>)
      tpu.yield
    }) : () -> ()
    return
  }
}

module attributes {stable_mosaic.version = 14 : i64} {
  func.func @_pack_body(%arg0: i32, %arg1: memref<512x1xf32, #tpu.memory_space<vmem>>, %arg2: memref<512x1xf32, #tpu.memory_space<vmem>>, %arg3: memref<512x1xf32, #tpu.memory_space<vmem>>, %arg4: memref<512x1xf32, #tpu.memory_space<vmem>>, %arg5: memref<1x5120xf32, #tpu.memory_space<vmem>>, %arg6: memref<1x5120xf32, #tpu.memory_space<vmem>>, %arg7: memref<1x5120xf32, #tpu.memory_space<vmem>>, %arg8: memref<1x5120xf32, #tpu.memory_space<vmem>>, %arg9: memref<512x320xi32, #tpu.memory_space<vmem>>) attributes {dimension_semantics = [#tpu.dimension_semantics<arbitrary>], iteration_bounds = array<i64: 10>, scalar_prefetch = 0 : i64, scratch_operands = 0 : i64, tpu.core_type = #tpu.core_type<tc>, window_params = [{transform_indices = @transform_0, window_bounds = array<i64: 512, 1>}, {transform_indices = @transform_1, window_bounds = array<i64: 512, 1>}, {transform_indices = @transform_2, window_bounds = array<i64: 512, 1>}, {transform_indices = @transform_3, window_bounds = array<i64: 512, 1>}, {pipeline_mode = #tpu.pipeline_mode<synchronous>, transform_indices = @transform_4, window_bounds = array<i64: 1, 5120>}, {pipeline_mode = #tpu.pipeline_mode<synchronous>, transform_indices = @transform_5, window_bounds = array<i64: 1, 5120>}, {pipeline_mode = #tpu.pipeline_mode<synchronous>, transform_indices = @transform_6, window_bounds = array<i64: 1, 5120>}, {pipeline_mode = #tpu.pipeline_mode<synchronous>, transform_indices = @transform_7, window_bounds = array<i64: 1, 5120>}, {transform_indices = @transform_8, window_bounds = array<i64: 512, 320>}]} {
    %get3A = arith.constant 0 : index
    %get3A_0 = arith.constant 0 : index
    %get3A_1 = vector.load %arg1[%get3A, %get3A_0] : memref<512x1xf32, #tpu.memory_space<vmem>>, vector<512x1xf32>
    %get3A_2 = arith.constant 0 : index
    %get3A_3 = arith.constant 0 : index
    %get3A_4 = vector.load %arg2[%get3A_2, %get3A_3] : memref<512x1xf32, #tpu.memory_space<vmem>>, vector<512x1xf32>
    %get3A_5 = arith.constant 0 : index
    %get3A_6 = arith.constant 0 : index
    %get3A_7 = vector.load %arg3[%get3A_5, %get3A_6] : memref<512x1xf32, #tpu.memory_space<vmem>>, vector<512x1xf32>
    %get3A_8 = arith.constant 0 : index
    %get3A_9 = arith.constant 0 : index
    %get3A_10 = vector.load %arg4[%get3A_8, %get3A_9] : memref<512x1xf32, #tpu.memory_space<vmem>>, vector<512x1xf32>
    %sub3A = arith.subf %get3A_7, %get3A_1 : vector<512x1xf32>
    %sub3A_11 = arith.subf %get3A_10, %get3A_4 : vector<512x1xf32>
    %mul3A = arith.mulf %sub3A, %sub3A_11 : vector<512x1xf32>
    %iota3A = tpu.iota {dimensions = array<i32: 0>} : vector<512x512xi32>
    %iota3A_12 = tpu.iota {dimensions = array<i32: 1>} : vector<512x512xi32>
    %gt3A = arith.cmpi sgt, %iota3A_12, %iota3A : vector<512x512xi32>
    %iota3A_13 = tpu.iota {dimensions = array<i32: 0>} : vector<512x32xi32>
    %iota3A_14 = tpu.iota {dimensions = array<i32: 1>} : vector<512x32xi32>
    %jit3A = arith.constant 16 : i32
    %div3A = vector.broadcast %jit3A : i32 to vector<512x32xi32>
    %div3A_15 = arith.divsi %iota3A_13, %div3A : vector<512x32xi32>
    %sign3A = arith.constant 0 : i32
    %sign3A_16 = vector.broadcast %sign3A : i32 to vector<512x32xi32>
    %sign3A_17 = arith.cmpi sgt, %iota3A_13, %sign3A_16 : vector<512x32xi32>
    %sign3A_18 = arith.extui %sign3A_17 : vector<512x32xi1> to vector<512x32xi32>
    %sign3A_19 = arith.constant 0 : i32
    %sign3A_20 = vector.broadcast %sign3A_19 : i32 to vector<512x32xi32>
    %sign3A_21 = arith.cmpi slt, %iota3A_13, %sign3A_20 : vector<512x32xi32>
    %sign3A_22 = arith.extui %sign3A_21 : vector<512x32xi1> to vector<512x32xi32>
    %sign3A_23 = arith.subi %sign3A_18, %sign3A_22 : vector<512x32xi32>
    %sign3A_24 = arith.constant 0 : i32
    %sign3A_25 = arith.cmpi sgt, %jit3A, %sign3A_24 : i32
    %sign3A_26 = arith.extui %sign3A_25 : i1 to i32
    %sign3A_27 = arith.constant 0 : i32
    %sign3A_28 = arith.cmpi slt, %jit3A, %sign3A_27 : i32
    %sign3A_29 = arith.extui %sign3A_28 : i1 to i32
    %sign3A_30 = arith.subi %sign3A_26, %sign3A_29 : i32
    %ne3A = vector.broadcast %sign3A_30 : i32 to vector<512x32xi32>
    %ne3A_31 = arith.cmpi ne, %sign3A_23, %ne3A : vector<512x32xi32>
    %rem3A = vector.broadcast %jit3A : i32 to vector<512x32xi32>
    %rem3A_32 = arith.remsi %iota3A_13, %rem3A : vector<512x32xi32>
    %ne3A_33 = arith.constant 0 : i32
    %ne3A_34 = vector.broadcast %ne3A_33 : i32 to vector<512x32xi32>
    %ne3A_35 = arith.cmpi ne, %rem3A_32, %ne3A_34 : vector<512x32xi32>
    %and3A = arith.andi %ne3A_31, %ne3A_35 : vector<512x32xi1>
    %sub3A_36 = arith.constant 1 : i32
    %sub3A_37 = vector.broadcast %sub3A_36 : i32 to vector<512x32xi32>
    %sub3A_38 = arith.subi %div3A_15, %sub3A_37 : vector<512x32xi32>
    %select_n3A = arith.select %and3A, %sub3A_38, %div3A_15 : vector<512x32xi1>, vector<512x32xi32>
    %eq3A = arith.cmpi eq, %select_n3A, %iota3A_14 : vector<512x32xi32>
    %jit3A_39 = arith.constant 16 : i32
    %eq3A_40 = arith.constant 0 : i32
    %eq3A_41 = arith.cmpi eq, %jit3A_39, %eq3A_40 : i32
    %jit3A_42 = arith.constant 1 : i32
    %select_n3A_43 = arith.select %eq3A_41, %jit3A_42, %jit3A_39 : i32
    %rem3A_44 = vector.broadcast %select_n3A_43 : i32 to vector<512x32xi32>
    %rem3A_45 = arith.remsi %iota3A_13, %rem3A_44 : vector<512x32xi32>
    %ne3A_46 = arith.constant 0 : i32
    %ne3A_47 = vector.broadcast %ne3A_46 : i32 to vector<512x32xi32>
    %ne3A_48 = arith.cmpi ne, %rem3A_45, %ne3A_47 : vector<512x32xi32>
    %lt3A = arith.constant 0 : i32
    %lt3A_49 = vector.broadcast %lt3A : i32 to vector<512x32xi32>
    %lt3A_50 = arith.cmpi slt, %rem3A_45, %lt3A_49 : vector<512x32xi32>
    %lt3A_51 = arith.constant 0 : i32
    %lt3A_52 = arith.cmpi slt, %select_n3A_43, %lt3A_51 : i32
    %ne3A_53 = vector.broadcast %lt3A_52 : i1 to vector<512x32xi1>
    %ne3A_54 = vector.broadcast %ne3A_53 : vector<512x32xi1> to vector<512x32xi1>
    %ne3A_55 = arith.xori %lt3A_50, %ne3A_54 : vector<512x32xi1>
    %and3A_56 = arith.andi %ne3A_55, %ne3A_48 : vector<512x32xi1>
    %add3A = vector.broadcast %select_n3A_43 : i32 to vector<512x32xi32>
    %add3A_57 = arith.addi %rem3A_45, %add3A : vector<512x32xi32>
    %select_n3A_58 = arith.select %and3A_56, %add3A_57, %rem3A_45 : vector<512x32xi1>, vector<512x32xi32>
    %shift_left3A = arith.constant 1 : i32
    %shift_left3A_59 = vector.broadcast %shift_left3A : i32 to vector<512x32xi32>
    %shift_left3A_60 = arith.shli %shift_left3A_59, %select_n3A_58 : vector<512x32xi32>
    %jit3A_61 = arith.constant 0 : i32
    %broadcast_in_dim3A = vector.broadcast %jit3A_61 : i32 to vector<512x32xi32>
    %select_n3A_62 = arith.select %eq3A, %shift_left3A_60, %broadcast_in_dim3A : vector<512x32xi1>, vector<512x32xi32>
    %convert_element_type3A = arith.sitofp %select_n3A_62 : vector<512x32xi32> to vector<512x32xbf16>
    %le3A = arith.constant 0 : i32
    %le3A_63 = arith.cmpi sle, %arg0, %le3A : i32
    %convert_element_type3A_64 = arith.extui %le3A_63 : i1 to i32
    %cond3A = arith.constant 0 : i32
    %cond3A_65 = arith.cmpi ne, %convert_element_type3A_64, %cond3A : i32
    scf.if %cond3A_65 {
      %get3A_161 = arith.constant 0 : index
      %get3A_162 = arith.constant 0 : index
      %get3A_163 = vector.load %arg5[%get3A_161, %get3A_162] : memref<1x5120xf32, #tpu.memory_space<vmem>>, vector<1x512xf32>
      %get3A_164 = arith.constant 0 : index
      %get3A_165 = arith.constant 0 : index
      %get3A_166 = vector.load %arg6[%get3A_164, %get3A_165] : memref<1x5120xf32, #tpu.memory_space<vmem>>, vector<1x512xf32>
      %get3A_167 = arith.constant 0 : index
      %get3A_168 = arith.constant 0 : index
      %get3A_169 = vector.load %arg7[%get3A_167, %get3A_168] : memref<1x5120xf32, #tpu.memory_space<vmem>>, vector<1x512xf32>
      %get3A_170 = arith.constant 0 : index
      %get3A_171 = arith.constant 0 : index
      %get3A_172 = vector.load %arg8[%get3A_170, %get3A_171] : memref<1x5120xf32, #tpu.memory_space<vmem>>, vector<1x512xf32>
      %sub3A_173 = arith.subf %get3A_169, %get3A_163 : vector<1x512xf32>
      %sub3A_174 = arith.subf %get3A_172, %get3A_166 : vector<1x512xf32>
      %mul3A_175 = arith.mulf %sub3A_173, %sub3A_174 : vector<1x512xf32>
      %max3A = vector.broadcast %get3A_1 : vector<512x1xf32> to vector<512x512xf32>
      %max3A_176 = vector.broadcast %get3A_163 : vector<1x512xf32> to vector<512x512xf32>
      %max3A_177 = arith.maximumf %max3A, %max3A_176 : vector<512x512xf32>
      %max3A_178 = vector.broadcast %get3A_4 : vector<512x1xf32> to vector<512x512xf32>
      %max3A_179 = vector.broadcast %get3A_166 : vector<1x512xf32> to vector<512x512xf32>
      %max3A_180 = arith.maximumf %max3A_178, %max3A_179 : vector<512x512xf32>
      %min3A = vector.broadcast %get3A_7 : vector<512x1xf32> to vector<512x512xf32>
      %min3A_181 = vector.broadcast %get3A_169 : vector<1x512xf32> to vector<512x512xf32>
      %min3A_182 = arith.minimumf %min3A, %min3A_181 : vector<512x512xf32>
      %min3A_183 = vector.broadcast %get3A_10 : vector<512x1xf32> to vector<512x512xf32>
      %min3A_184 = vector.broadcast %get3A_172 : vector<1x512xf32> to vector<512x512xf32>
      %min3A_185 = arith.minimumf %min3A_183, %min3A_184 : vector<512x512xf32>
      %sub3A_186 = arith.subf %min3A_182, %max3A_177 : vector<512x512xf32>
      %jit3A_187 = arith.constant 0.000000e+00 : f32
      %max3A_188 = vector.broadcast %jit3A_187 : f32 to vector<512x512xf32>
      %max3A_189 = arith.maximumf %max3A_188, %sub3A_186 : vector<512x512xf32>
      %sub3A_190 = arith.subf %min3A_185, %max3A_180 : vector<512x512xf32>
      %jit3A_191 = arith.constant 0.000000e+00 : f32
      %max3A_192 = vector.broadcast %jit3A_191 : f32 to vector<512x512xf32>
      %max3A_193 = arith.maximumf %max3A_192, %sub3A_190 : vector<512x512xf32>
      %mul3A_194 = arith.mulf %max3A_189, %max3A_193 : vector<512x512xf32>
      %add3A_195 = vector.broadcast %mul3A : vector<512x1xf32> to vector<512x512xf32>
      %add3A_196 = vector.broadcast %mul3A_175 : vector<1x512xf32> to vector<512x512xf32>
      %add3A_197 = arith.addf %add3A_195, %add3A_196 : vector<512x512xf32>
      %sub3A_198 = arith.subf %add3A_197, %mul3A_194 : vector<512x512xf32>
      %max3A_199 = arith.constant 9.99999997E-7 : f32
      %max3A_200 = vector.broadcast %max3A_199 : f32 to vector<512x512xf32>
      %max3A_201 = arith.maximumf %sub3A_198, %max3A_200 : vector<512x512xf32>
      %div3A_202 = arith.divf %mul3A_194, %max3A_201 : vector<512x512xf32>
      %gt3A_203 = arith.constant 5.000000e-01 : f32
      %gt3A_204 = vector.broadcast %gt3A_203 : f32 to vector<512x512xf32>
      %gt3A_205 = arith.cmpf ogt, %div3A_202, %gt3A_204 : vector<512x512xf32>
      %lt3A_206 = arith.constant 0 : i32
      %lt3A_207 = arith.cmpi slt, %arg0, %lt3A_206 : i32
      %or3A = vector.broadcast %lt3A_207 : i1 to vector<512x512xi1>
      %or3A_208 = arith.ori %gt3A, %or3A : vector<512x512xi1>
      %and3A_209 = arith.andi %gt3A_205, %or3A_208 : vector<512x512xi1>
      %convert_element_type3A_210 = arith.extui %and3A_209 : vector<512x512xi1> to vector<512x512xi32>
      %convert_element_type3A_211 = arith.sitofp %convert_element_type3A_210 : vector<512x512xi32> to vector<512x512xf32>
      %convert_element_type3A_212 = arith.truncf %convert_element_type3A_211 : vector<512x512xf32> to vector<512x512xbf16>
      %dot_general3A = arith.constant dense<0.000000e+00> : vector<512x32xf32>
      %dot_general3A_213 = tpu.matmul %convert_element_type3A_212, %convert_element_type3A, %dot_general3A {dimension_numbers = #tpu.dot_dimension_numbers<[1], [0], [0], [1], [0, 0, 1, 1], [], []>, transpose_lhs_hint = false} : vector<512x512xbf16>, vector<512x32xbf16>, vector<512x32xf32> -> vector<512x32xf32>
      %convert_element_type3A_214 = arith.fptosi %dot_general3A_213 : vector<512x32xf32> to vector<512x32xi32>
      %swap3A = arith.constant 0 : index
      %swap3A_215 = arith.constant 0 : index
      %swap3A_216 = vector.load %arg9[%swap3A, %swap3A_215] : memref<512x320xi32, #tpu.memory_space<vmem>>, vector<512x32xi32>
      tpu.vector_store %arg9[%swap3A, %swap3A_215], %convert_element_type3A_214 {strides = array<i32>} : memref<512x320xi32, #tpu.memory_space<vmem>>, vector<512x32xi32>,
    } else {
    }
    %gt3A_66 = arith.constant 0 : i32
    %gt3A_67 = arith.cmpi sgt, %arg0, %gt3A_66 : i32
    %convert_element_type3A_68 = arith.extui %gt3A_67 : i1 to i32
    %cond3A_69 = arith.constant 0 : i32
    %cond3A_70 = arith.cmpi ne, %convert_element_type3A_68, %cond3A_69 : i32
    scf.if %cond3A_70 {
      %broadcast_in_dim3A_161 = arith.constant 0 : i32
      %broadcast_in_dim3A_162 = vector.broadcast %broadcast_in_dim3A_161 : i32 to vector<512x32xi32>
      %swap3A = arith.constant 0 : index
      %swap3A_163 = arith.constant 0 : index
      %swap3A_164 = vector.load %arg9[%swap3A, %swap3A_163] : memref<512x320xi32, #tpu.memory_space<vmem>>, vector<512x32xi32>
      tpu.vector_store %arg9[%swap3A, %swap3A_163], %broadcast_in_dim3A_162 {strides = array<i32>} : memref<512x320xi32, #tpu.memory_space<vmem>>, vector<512x32xi32>,
    } else {
    }
    %le3A_71 = arith.constant 1 : i32
    %le3A_72 = arith.cmpi sle, %arg0, %le3A_71 : i32
    %convert_element_type3A_73 = arith.extui %le3A_72 : i1 to i32
    %cond3A_74 = arith.constant 0 : i32
    %cond3A_75 = arith.cmpi ne, %convert_element_type3A_73, %cond3A_74 : i32
    scf.if %cond3A_75 {
      %get3A_161 = arith.constant 0 : index
      %get3A_162 = arith.constant 512 : index
      %get3A_163 = vector.load %arg5[%get3A_161, %get3A_162] : memref<1x5120xf32, #tpu.memory_space<vmem>>, vector<1x512xf32>
      %get3A_164 = arith.constant 0 : index
      %get3A_165 = arith.constant 512 : index
      %get3A_166 = vector.load %arg6[%get3A_164, %get3A_165] : memref<1x5120xf32, #tpu.memory_space<vmem>>, vector<1x512xf32>
      %get3A_167 = arith.constant 0 : index
      %get3A_168 = arith.constant 512 : index
      %get3A_169 = vector.load %arg7[%get3A_167, %get3A_168] : memref<1x5120xf32, #tpu.memory_space<vmem>>, vector<1x512xf32>
      %get3A_170 = arith.constant 0 : index
      %get3A_171 = arith.constant 512 : index
      %get3A_172 = vector.load %arg8[%get3A_170, %get3A_171] : memref<1x5120xf32, #tpu.memory_space<vmem>>, vector<1x512xf32>
      %sub3A_173 = arith.subf %get3A_169, %get3A_163 : vector<1x512xf32>
      %sub3A_174 = arith.subf %get3A_172, %get3A_166 : vector<1x512xf32>
      %mul3A_175 = arith.mulf %sub3A_173, %sub3A_174 : vector<1x512xf32>
      %max3A = vector.broadcast %get3A_1 : vector<512x1xf32> to vector<512x512xf32>
      %max3A_176 = vector.broadcast %get3A_163 : vector<1x512xf32> to vector<512x512xf32>
      %max3A_177 = arith.maximumf %max3A, %max3A_176 : vector<512x512xf32>
      %max3A_178 = vector.broadcast %get3A_4 : vector<512x1xf32> to vector<512x512xf32>
      %max3A_179 = vector.broadcast %get3A_166 : vector<1x512xf32> to vector<512x512xf32>
      %max3A_180 = arith.maximumf %max3A_178, %max3A_179 : vector<512x512xf32>
      %min3A = vector.broadcast %get3A_7 : vector<512x1xf32> to vector<512x512xf32>
      %min3A_181 = vector.broadcast %get3A_169 : vector<1x512xf32> to vector<512x512xf32>
      %min3A_182 = arith.minimumf %min3A, %min3A_181 : vector<512x512xf32>
      %min3A_183 = vector.broadcast %get3A_10 : vector<512x1xf32> to vector<512x512xf32>
      %min3A_184 = vector.broadcast %get3A_172 : vector<1x512xf32> to vector<512x512xf32>
      %min3A_185 = arith.minimumf %min3A_183, %min3A_184 : vector<512x512xf32>
      %sub3A_186 = arith.subf %min3A_182, %max3A_177 : vector<512x512xf32>
      %jit3A_187 = arith.constant 0.000000e+00 : f32
      %max3A_188 = vector.broadcast %jit3A_187 : f32 to vector<512x512xf32>
      %max3A_189 = arith.maximumf %max3A_188, %sub3A_186 : vector<512x512xf32>
      %sub3A_190 = arith.subf %min3A_185, %max3A_180 : vector<512x512xf32>
      %jit3A_191 = arith.constant 0.000000e+00 : f32
      %max3A_192 = vector.broadcast %jit3A_191 : f32 to vector<512x512xf32>
      %max3A_193 = arith.maximumf %max3A_192, %sub3A_190 : vector<512x512xf32>
      %mul3A_194 = arith.mulf %max3A_189, %max3A_193 : vector<512x512xf32>
      %add3A_195 = vector.broadcast %mul3A : vector<512x1xf32> to vector<512x512xf32>
      %add3A_196 = vector.broadcast %mul3A_175 : vector<1x512xf32> to vector<512x512xf32>
      %add3A_197 = arith.addf %add3A_195, %add3A_196 : vector<512x512xf32>
      %sub3A_198 = arith.subf %add3A_197, %mul3A_194 : vector<512x512xf32>
      %max3A_199 = arith.constant 9.99999997E-7 : f32
      %max3A_200 = vector.broadcast %max3A_199 : f32 to vector<512x512xf32>
      %max3A_201 = arith.maximumf %sub3A_198, %max3A_200 : vector<512x512xf32>
      %div3A_202 = arith.divf %mul3A_194, %max3A_201 : vector<512x512xf32>
      %gt3A_203 = arith.constant 5.000000e-01 : f32
      %gt3A_204 = vector.broadcast %gt3A_203 : f32 to vector<512x512xf32>
      %gt3A_205 = arith.cmpf ogt, %div3A_202, %gt3A_204 : vector<512x512xf32>
      %lt3A_206 = arith.constant 1 : i32
      %lt3A_207 = arith.cmpi slt, %arg0, %lt3A_206 : i32
      %or3A = vector.broadcast %lt3A_207 : i1 to vector<512x512xi1>
      %or3A_208 = arith.ori %gt3A, %or3A : vector<512x512xi1>
      %and3A_209 = arith.andi %gt3A_205, %or3A_208 : vector<512x512xi1>
      %convert_element_type3A_210 = arith.extui %and3A_209 : vector<512x512xi1> to vector<512x512xi32>
      %convert_element_type3A_211 = arith.sitofp %convert_element_type3A_210 : vector<512x512xi32> to vector<512x512xf32>
      %convert_element_type3A_212 = arith.truncf %convert_element_type3A_211 : vector<512x512xf32> to vector<512x512xbf16>
      %dot_general3A = arith.constant dense<0.000000e+00> : vector<512x32xf32>
      %dot_general3A_213 = tpu.matmul %convert_element_type3A_212, %convert_element_type3A, %dot_general3A {dimension_numbers = #tpu.dot_dimension_numbers<[1], [0], [0], [1], [0, 0, 1, 1], [], []>, transpose_lhs_hint = false} : vector<512x512xbf16>, vector<512x32xbf16>, vector<512x32xf32> -> vector<512x32xf32>
      %convert_element_type3A_214 = arith.fptosi %dot_general3A_213 : vector<512x32xf32> to vector<512x32xi32>
      %swap3A = arith.constant 0 : index
      %swap3A_215 = arith.constant 32 : index
      %swap3A_216 = vector.load %arg9[%swap3A, %swap3A_215] : memref<512x320xi32, #tpu.memory_space<vmem>>, vector<512x32xi32>
      tpu.vector_store %arg9[%swap3A, %swap3A_215], %convert_element_type3A_214 {strides = array<i32>} : memref<512x320xi32, #tpu.memory_space<vmem>>, vector<512x32xi32>,
    } else {
    }
    %gt3A_76 = arith.constant 1 : i32
    %gt3A_77 = arith.cmpi sgt, %arg0, %gt3A_76 : i32
    %convert_element_type3A_78 = arith.extui %gt3A_77 : i1 to i32
    %cond3A_79 = arith.constant 0 : i32
    %cond3A_80 = arith.cmpi ne, %convert_element_type3A_78, %cond3A_79 : i32
    scf.if %cond3A_80 {
      %broadcast_in_dim3A_161 = arith.constant 0 : i32
      %broadcast_in_dim3A_162 = vector.broadcast %broadcast_in_dim3A_161 : i32 to vector<512x32xi32>
      %swap3A = arith.constant 0 : index
      %swap3A_163 = arith.constant 32 : index
      %swap3A_164 = vector.load %arg9[%swap3A, %swap3A_163] : memref<512x320xi32, #tpu.memory_space<vmem>>, vector<512x32xi32>
      tpu.vector_store %arg9[%swap3A, %swap3A_163], %broadcast_in_dim3A_162 {strides = array<i32>} : memref<512x320xi32, #tpu.memory_space<vmem>>, vector<512x32xi32>,
    } else {
    }
    %le3A_81 = arith.constant 2 : i32
    %le3A_82 = arith.cmpi sle, %arg0, %le3A_81 : i32
    %convert_element_type3A_83 = arith.extui %le3A_82 : i1 to i32
    %cond3A_84 = arith.constant 0 : i32
    %cond3A_85 = arith.cmpi ne, %convert_element_type3A_83, %cond3A_84 : i32
    scf.if %cond3A_85 {
      %get3A_161 = arith.constant 0 : index
      %get3A_162 = arith.constant 1024 : index
      %get3A_163 = vector.load %arg5[%get3A_161, %get3A_162] : memref<1x5120xf32, #tpu.memory_space<vmem>>, vector<1x512xf32>
      %get3A_164 = arith.constant 0 : index
      %get3A_165 = arith.constant 1024 : index
      %get3A_166 = vector.load %arg6[%get3A_164, %get3A_165] : memref<1x5120xf32, #tpu.memory_space<vmem>>, vector<1x512xf32>
      %get3A_167 = arith.constant 0 : index
      %get3A_168 = arith.constant 1024 : index
      %get3A_169 = vector.load %arg7[%get3A_167, %get3A_168] : memref<1x5120xf32, #tpu.memory_space<vmem>>, vector<1x512xf32>
      %get3A_170 = arith.constant 0 : index
      %get3A_171 = arith.constant 1024 : index
      %get3A_172 = vector.load %arg8[%get3A_170, %get3A_171] : memref<1x5120xf32, #tpu.memory_space<vmem>>, vector<1x512xf32>
      %sub3A_173 = arith.subf %get3A_169, %get3A_163 : vector<1x512xf32>
      %sub3A_174 = arith.subf %get3A_172, %get3A_166 : vector<1x512xf32>
      %mul3A_175 = arith.mulf %sub3A_173, %sub3A_174 : vector<1x512xf32>
      %max3A = vector.broadcast %get3A_1 : vector<512x1xf32> to vector<512x512xf32>
      %max3A_176 = vector.broadcast %get3A_163 : vector<1x512xf32> to vector<512x512xf32>
      %max3A_177 = arith.maximumf %max3A, %max3A_176 : vector<512x512xf32>
      %max3A_178 = vector.broadcast %get3A_4 : vector<512x1xf32> to vector<512x512xf32>
      %max3A_179 = vector.broadcast %get3A_166 : vector<1x512xf32> to vector<512x512xf32>
      %max3A_180 = arith.maximumf %max3A_178, %max3A_179 : vector<512x512xf32>
      %min3A = vector.broadcast %get3A_7 : vector<512x1xf32> to vector<512x512xf32>
      %min3A_181 = vector.broadcast %get3A_169 : vector<1x512xf32> to vector<512x512xf32>
      %min3A_182 = arith.minimumf %min3A, %min3A_181 : vector<512x512xf32>
      %min3A_183 = vector.broadcast %get3A_10 : vector<512x1xf32> to vector<512x512xf32>
      %min3A_184 = vector.broadcast %get3A_172 : vector<1x512xf32> to vector<512x512xf32>
      %min3A_185 = arith.minimumf %min3A_183, %min3A_184 : vector<512x512xf32>
      %sub3A_186 = arith.subf %min3A_182, %max3A_177 : vector<512x512xf32>
      %jit3A_187 = arith.constant 0.000000e+00 : f32
      %max3A_188 = vector.broadcast %jit3A_187 : f32 to vector<512x512xf32>
      %max3A_189 = arith.maximumf %max3A_188, %sub3A_186 : vector<512x512xf32>
      %sub3A_190 = arith.subf %min3A_185, %max3A_180 : vector<512x512xf32>
      %jit3A_191 = arith.constant 0.000000e+00 : f32
      %max3A_192 = vector.broadcast %jit3A_191 : f32 to vector<512x512xf32>
      %max3A_193 = arith.maximumf %max3A_192, %sub3A_190 : vector<512x512xf32>
      %mul3A_194 = arith.mulf %max3A_189, %max3A_193 : vector<512x512xf32>
      %add3A_195 = vector.broadcast %mul3A : vector<512x1xf32> to vector<512x512xf32>
      %add3A_196 = vector.broadcast %mul3A_175 : vector<1x512xf32> to vector<512x512xf32>
      %add3A_197 = arith.addf %add3A_195, %add3A_196 : vector<512x512xf32>
      %sub3A_198 = arith.subf %add3A_197, %mul3A_194 : vector<512x512xf32>
      %max3A_199 = arith.constant 9.99999997E-7 : f32
      %max3A_200 = vector.broadcast %max3A_199 : f32 to vector<512x512xf32>
      %max3A_201 = arith.maximumf %sub3A_198, %max3A_200 : vector<512x512xf32>
      %div3A_202 = arith.divf %mul3A_194, %max3A_201 : vector<512x512xf32>
      %gt3A_203 = arith.constant 5.000000e-01 : f32
      %gt3A_204 = vector.broadcast %gt3A_203 : f32 to vector<512x512xf32>
      %gt3A_205 = arith.cmpf ogt, %div3A_202, %gt3A_204 : vector<512x512xf32>
      %lt3A_206 = arith.constant 2 : i32
      %lt3A_207 = arith.cmpi slt, %arg0, %lt3A_206 : i32
      %or3A = vector.broadcast %lt3A_207 : i1 to vector<512x512xi1>
      %or3A_208 = arith.ori %gt3A, %or3A : vector<512x512xi1>
      %and3A_209 = arith.andi %gt3A_205, %or3A_208 : vector<512x512xi1>
      %convert_element_type3A_210 = arith.extui %and3A_209 : vector<512x512xi1> to vector<512x512xi32>
      %convert_element_type3A_211 = arith.sitofp %convert_element_type3A_210 : vector<512x512xi32> to vector<512x512xf32>
      %convert_element_type3A_212 = arith.truncf %convert_element_type3A_211 : vector<512x512xf32> to vector<512x512xbf16>
      %dot_general3A = arith.constant dense<0.000000e+00> : vector<512x32xf32>
      %dot_general3A_213 = tpu.matmul %convert_element_type3A_212, %convert_element_type3A, %dot_general3A {dimension_numbers = #tpu.dot_dimension_numbers<[1], [0], [0], [1], [0, 0, 1, 1], [], []>, transpose_lhs_hint = false} : vector<512x512xbf16>, vector<512x32xbf16>, vector<512x32xf32> -> vector<512x32xf32>
      %convert_element_type3A_214 = arith.fptosi %dot_general3A_213 : vector<512x32xf32> to vector<512x32xi32>
      %swap3A = arith.constant 0 : index
      %swap3A_215 = arith.constant 64 : index
      %swap3A_216 = vector.load %arg9[%swap3A, %swap3A_215] : memref<512x320xi32, #tpu.memory_space<vmem>>, vector<512x32xi32>
      tpu.vector_store %arg9[%swap3A, %swap3A_215], %convert_element_type3A_214 {strides = array<i32>} : memref<512x320xi32, #tpu.memory_space<vmem>>, vector<512x32xi32>,
    } else {
    }
    %gt3A_86 = arith.constant 2 : i32
    %gt3A_87 = arith.cmpi sgt, %arg0, %gt3A_86 : i32
    %convert_element_type3A_88 = arith.extui %gt3A_87 : i1 to i32
    %cond3A_89 = arith.constant 0 : i32
    %cond3A_90 = arith.cmpi ne, %convert_element_type3A_88, %cond3A_89 : i32
    scf.if %cond3A_90 {
      %broadcast_in_dim3A_161 = arith.constant 0 : i32
      %broadcast_in_dim3A_162 = vector.broadcast %broadcast_in_dim3A_161 : i32 to vector<512x32xi32>
      %swap3A = arith.constant 0 : index
      %swap3A_163 = arith.constant 64 : index
      %swap3A_164 = vector.load %arg9[%swap3A, %swap3A_163] : memref<512x320xi32, #tpu.memory_space<vmem>>, vector<512x32xi32>
      tpu.vector_store %arg9[%swap3A, %swap3A_163], %broadcast_in_dim3A_162 {strides = array<i32>} : memref<512x320xi32, #tpu.memory_space<vmem>>, vector<512x32xi32>,
    } else {
    }
    %le3A_91 = arith.constant 3 : i32
    %le3A_92 = arith.cmpi sle, %arg0, %le3A_91 : i32
    %convert_element_type3A_93 = arith.extui %le3A_92 : i1 to i32
    %cond3A_94 = arith.constant 0 : i32
    %cond3A_95 = arith.cmpi ne, %convert_element_type3A_93, %cond3A_94 : i32
    scf.if %cond3A_95 {
      %get3A_161 = arith.constant 0 : index
      %get3A_162 = arith.constant 1536 : index
      %get3A_163 = vector.load %arg5[%get3A_161, %get3A_162] : memref<1x5120xf32, #tpu.memory_space<vmem>>, vector<1x512xf32>
      %get3A_164 = arith.constant 0 : index
      %get3A_165 = arith.constant 1536 : index
      %get3A_166 = vector.load %arg6[%get3A_164, %get3A_165] : memref<1x5120xf32, #tpu.memory_space<vmem>>, vector<1x512xf32>
      %get3A_167 = arith.constant 0 : index
      %get3A_168 = arith.constant 1536 : index
      %get3A_169 = vector.load %arg7[%get3A_167, %get3A_168] : memref<1x5120xf32, #tpu.memory_space<vmem>>, vector<1x512xf32>
      %get3A_170 = arith.constant 0 : index
      %get3A_171 = arith.constant 1536 : index
      %get3A_172 = vector.load %arg8[%get3A_170, %get3A_171] : memref<1x5120xf32, #tpu.memory_space<vmem>>, vector<1x512xf32>
      %sub3A_173 = arith.subf %get3A_169, %get3A_163 : vector<1x512xf32>
      %sub3A_174 = arith.subf %get3A_172, %get3A_166 : vector<1x512xf32>
      %mul3A_175 = arith.mulf %sub3A_173, %sub3A_174 : vector<1x512xf32>
      %max3A = vector.broadcast %get3A_1 : vector<512x1xf32> to vector<512x512xf32>
      %max3A_176 = vector.broadcast %get3A_163 : vector<1x512xf32> to vector<512x512xf32>
      %max3A_177 = arith.maximumf %max3A, %max3A_176 : vector<512x512xf32>
      %max3A_178 = vector.broadcast %get3A_4 : vector<512x1xf32> to vector<512x512xf32>
      %max3A_179 = vector.broadcast %get3A_166 : vector<1x512xf32> to vector<512x512xf32>
      %max3A_180 = arith.maximumf %max3A_178, %max3A_179 : vector<512x512xf32>
      %min3A = vector.broadcast %get3A_7 : vector<512x1xf32> to vector<512x512xf32>
      %min3A_181 = vector.broadcast %get3A_169 : vector<1x512xf32> to vector<512x512xf32>
      %min3A_182 = arith.minimumf %min3A, %min3A_181 : vector<512x512xf32>
      %min3A_183 = vector.broadcast %get3A_10 : vector<512x1xf32> to vector<512x512xf32>
      %min3A_184 = vector.broadcast %get3A_172 : vector<1x512xf32> to vector<512x512xf32>
      %min3A_185 = arith.minimumf %min3A_183, %min3A_184 : vector<512x512xf32>
      %sub3A_186 = arith.subf %min3A_182, %max3A_177 : vector<512x512xf32>
      %jit3A_187 = arith.constant 0.000000e+00 : f32
      %max3A_188 = vector.broadcast %jit3A_187 : f32 to vector<512x512xf32>
      %max3A_189 = arith.maximumf %max3A_188, %sub3A_186 : vector<512x512xf32>
      %sub3A_190 = arith.subf %min3A_185, %max3A_180 : vector<512x512xf32>
      %jit3A_191 = arith.constant 0.000000e+00 : f32
      %max3A_192 = vector.broadcast %jit3A_191 : f32 to vector<512x512xf32>
      %max3A_193 = arith.maximumf %max3A_192, %sub3A_190 : vector<512x512xf32>
      %mul3A_194 = arith.mulf %max3A_189, %max3A_193 : vector<512x512xf32>
      %add3A_195 = vector.broadcast %mul3A : vector<512x1xf32> to vector<512x512xf32>
      %add3A_196 = vector.broadcast %mul3A_175 : vector<1x512xf32> to vector<512x512xf32>
      %add3A_197 = arith.addf %add3A_195, %add3A_196 : vector<512x512xf32>
      %sub3A_198 = arith.subf %add3A_197, %mul3A_194 : vector<512x512xf32>
      %max3A_199 = arith.constant 9.99999997E-7 : f32
      %max3A_200 = vector.broadcast %max3A_199 : f32 to vector<512x512xf32>
      %max3A_201 = arith.maximumf %sub3A_198, %max3A_200 : vector<512x512xf32>
      %div3A_202 = arith.divf %mul3A_194, %max3A_201 : vector<512x512xf32>
      %gt3A_203 = arith.constant 5.000000e-01 : f32
      %gt3A_204 = vector.broadcast %gt3A_203 : f32 to vector<512x512xf32>
      %gt3A_205 = arith.cmpf ogt, %div3A_202, %gt3A_204 : vector<512x512xf32>
      %lt3A_206 = arith.constant 3 : i32
      %lt3A_207 = arith.cmpi slt, %arg0, %lt3A_206 : i32
      %or3A = vector.broadcast %lt3A_207 : i1 to vector<512x512xi1>
      %or3A_208 = arith.ori %gt3A, %or3A : vector<512x512xi1>
      %and3A_209 = arith.andi %gt3A_205, %or3A_208 : vector<512x512xi1>
      %convert_element_type3A_210 = arith.extui %and3A_209 : vector<512x512xi1> to vector<512x512xi32>
      %convert_element_type3A_211 = arith.sitofp %convert_element_type3A_210 : vector<512x512xi32> to vector<512x512xf32>
      %convert_element_type3A_212 = arith.truncf %convert_element_type3A_211 : vector<512x512xf32> to vector<512x512xbf16>
      %dot_general3A = arith.constant dense<0.000000e+00> : vector<512x32xf32>
      %dot_general3A_213 = tpu.matmul %convert_element_type3A_212, %convert_element_type3A, %dot_general3A {dimension_numbers = #tpu.dot_dimension_numbers<[1], [0], [0], [1], [0, 0, 1, 1], [], []>, transpose_lhs_hint = false} : vector<512x512xbf16>, vector<512x32xbf16>, vector<512x32xf32> -> vector<512x32xf32>
      %convert_element_type3A_214 = arith.fptosi %dot_general3A_213 : vector<512x32xf32> to vector<512x32xi32>
      %swap3A = arith.constant 0 : index
      %swap3A_215 = arith.constant 96 : index
      %swap3A_216 = vector.load %arg9[%swap3A, %swap3A_215] : memref<512x320xi32, #tpu.memory_space<vmem>>, vector<512x32xi32>
      tpu.vector_store %arg9[%swap3A, %swap3A_215], %convert_element_type3A_214 {strides = array<i32>} : memref<512x320xi32, #tpu.memory_space<vmem>>, vector<512x32xi32>,
    } else {
    }
    %gt3A_96 = arith.constant 3 : i32
    %gt3A_97 = arith.cmpi sgt, %arg0, %gt3A_96 : i32
    %convert_element_type3A_98 = arith.extui %gt3A_97 : i1 to i32
    %cond3A_99 = arith.constant 0 : i32
    %cond3A_100 = arith.cmpi ne, %convert_element_type3A_98, %cond3A_99 : i32
    scf.if %cond3A_100 {
      %broadcast_in_dim3A_161 = arith.constant 0 : i32
      %broadcast_in_dim3A_162 = vector.broadcast %broadcast_in_dim3A_161 : i32 to vector<512x32xi32>
      %swap3A = arith.constant 0 : index
      %swap3A_163 = arith.constant 96 : index
      %swap3A_164 = vector.load %arg9[%swap3A, %swap3A_163] : memref<512x320xi32, #tpu.memory_space<vmem>>, vector<512x32xi32>
      tpu.vector_store %arg9[%swap3A, %swap3A_163], %broadcast_in_dim3A_162 {strides = array<i32>} : memref<512x320xi32, #tpu.memory_space<vmem>>, vector<512x32xi32>,
    } else {
    }
    %le3A_101 = arith.constant 4 : i32
    %le3A_102 = arith.cmpi sle, %arg0, %le3A_101 : i32
    %convert_element_type3A_103 = arith.extui %le3A_102 : i1 to i32
    %cond3A_104 = arith.constant 0 : i32
    %cond3A_105 = arith.cmpi ne, %convert_element_type3A_103, %cond3A_104 : i32
    scf.if %cond3A_105 {
      %get3A_161 = arith.constant 0 : index
      %get3A_162 = arith.constant 2048 : index
      %get3A_163 = vector.load %arg5[%get3A_161, %get3A_162] : memref<1x5120xf32, #tpu.memory_space<vmem>>, vector<1x512xf32>
      %get3A_164 = arith.constant 0 : index
      %get3A_165 = arith.constant 2048 : index
      %get3A_166 = vector.load %arg6[%get3A_164, %get3A_165] : memref<1x5120xf32, #tpu.memory_space<vmem>>, vector<1x512xf32>
      %get3A_167 = arith.constant 0 : index
      %get3A_168 = arith.constant 2048 : index
      %get3A_169 = vector.load %arg7[%get3A_167, %get3A_168] : memref<1x5120xf32, #tpu.memory_space<vmem>>, vector<1x512xf32>
      %get3A_170 = arith.constant 0 : index
      %get3A_171 = arith.constant 2048 : index
      %get3A_172 = vector.load %arg8[%get3A_170, %get3A_171] : memref<1x5120xf32, #tpu.memory_space<vmem>>, vector<1x512xf32>
      %sub3A_173 = arith.subf %get3A_169, %get3A_163 : vector<1x512xf32>
      %sub3A_174 = arith.subf %get3A_172, %get3A_166 : vector<1x512xf32>
      %mul3A_175 = arith.mulf %sub3A_173, %sub3A_174 : vector<1x512xf32>
      %max3A = vector.broadcast %get3A_1 : vector<512x1xf32> to vector<512x512xf32>
      %max3A_176 = vector.broadcast %get3A_163 : vector<1x512xf32> to vector<512x512xf32>
      %max3A_177 = arith.maximumf %max3A, %max3A_176 : vector<512x512xf32>
      %max3A_178 = vector.broadcast %get3A_4 : vector<512x1xf32> to vector<512x512xf32>
      %max3A_179 = vector.broadcast %get3A_166 : vector<1x512xf32> to vector<512x512xf32>
      %max3A_180 = arith.maximumf %max3A_178, %max3A_179 : vector<512x512xf32>
      %min3A = vector.broadcast %get3A_7 : vector<512x1xf32> to vector<512x512xf32>
      %min3A_181 = vector.broadcast %get3A_169 : vector<1x512xf32> to vector<512x512xf32>
      %min3A_182 = arith.minimumf %min3A, %min3A_181 : vector<512x512xf32>
      %min3A_183 = vector.broadcast %get3A_10 : vector<512x1xf32> to vector<512x512xf32>
      %min3A_184 = vector.broadcast %get3A_172 : vector<1x512xf32> to vector<512x512xf32>
      %min3A_185 = arith.minimumf %min3A_183, %min3A_184 : vector<512x512xf32>
      %sub3A_186 = arith.subf %min3A_182, %max3A_177 : vector<512x512xf32>
      %jit3A_187 = arith.constant 0.000000e+00 : f32
      %max3A_188 = vector.broadcast %jit3A_187 : f32 to vector<512x512xf32>
      %max3A_189 = arith.maximumf %max3A_188, %sub3A_186 : vector<512x512xf32>
      %sub3A_190 = arith.subf %min3A_185, %max3A_180 : vector<512x512xf32>
      %jit3A_191 = arith.constant 0.000000e+00 : f32
      %max3A_192 = vector.broadcast %jit3A_191 : f32 to vector<512x512xf32>
      %max3A_193 = arith.maximumf %max3A_192, %sub3A_190 : vector<512x512xf32>
      %mul3A_194 = arith.mulf %max3A_189, %max3A_193 : vector<512x512xf32>
      %add3A_195 = vector.broadcast %mul3A : vector<512x1xf32> to vector<512x512xf32>
      %add3A_196 = vector.broadcast %mul3A_175 : vector<1x512xf32> to vector<512x512xf32>
      %add3A_197 = arith.addf %add3A_195, %add3A_196 : vector<512x512xf32>
      %sub3A_198 = arith.subf %add3A_197, %mul3A_194 : vector<512x512xf32>
      %max3A_199 = arith.constant 9.99999997E-7 : f32
      %max3A_200 = vector.broadcast %max3A_199 : f32 to vector<512x512xf32>
      %max3A_201 = arith.maximumf %sub3A_198, %max3A_200 : vector<512x512xf32>
      %div3A_202 = arith.divf %mul3A_194, %max3A_201 : vector<512x512xf32>
      %gt3A_203 = arith.constant 5.000000e-01 : f32
      %gt3A_204 = vector.broadcast %gt3A_203 : f32 to vector<512x512xf32>
      %gt3A_205 = arith.cmpf ogt, %div3A_202, %gt3A_204 : vector<512x512xf32>
      %lt3A_206 = arith.constant 4 : i32
      %lt3A_207 = arith.cmpi slt, %arg0, %lt3A_206 : i32
      %or3A = vector.broadcast %lt3A_207 : i1 to vector<512x512xi1>
      %or3A_208 = arith.ori %gt3A, %or3A : vector<512x512xi1>
      %and3A_209 = arith.andi %gt3A_205, %or3A_208 : vector<512x512xi1>
      %convert_element_type3A_210 = arith.extui %and3A_209 : vector<512x512xi1> to vector<512x512xi32>
      %convert_element_type3A_211 = arith.sitofp %convert_element_type3A_210 : vector<512x512xi32> to vector<512x512xf32>
      %convert_element_type3A_212 = arith.truncf %convert_element_type3A_211 : vector<512x512xf32> to vector<512x512xbf16>
      %dot_general3A = arith.constant dense<0.000000e+00> : vector<512x32xf32>
      %dot_general3A_213 = tpu.matmul %convert_element_type3A_212, %convert_element_type3A, %dot_general3A {dimension_numbers = #tpu.dot_dimension_numbers<[1], [0], [0], [1], [0, 0, 1, 1], [], []>, transpose_lhs_hint = false} : vector<512x512xbf16>, vector<512x32xbf16>, vector<512x32xf32> -> vector<512x32xf32>
      %convert_element_type3A_214 = arith.fptosi %dot_general3A_213 : vector<512x32xf32> to vector<512x32xi32>
      %swap3A = arith.constant 0 : index
      %swap3A_215 = arith.constant 128 : index
      %swap3A_216 = vector.load %arg9[%swap3A, %swap3A_215] : memref<512x320xi32, #tpu.memory_space<vmem>>, vector<512x32xi32>
      tpu.vector_store %arg9[%swap3A, %swap3A_215], %convert_element_type3A_214 {strides = array<i32>} : memref<512x320xi32, #tpu.memory_space<vmem>>, vector<512x32xi32>,
    } else {
    }
    %gt3A_106 = arith.constant 4 : i32
    %gt3A_107 = arith.cmpi sgt, %arg0, %gt3A_106 : i32
    %convert_element_type3A_108 = arith.extui %gt3A_107 : i1 to i32
    %cond3A_109 = arith.constant 0 : i32
    %cond3A_110 = arith.cmpi ne, %convert_element_type3A_108, %cond3A_109 : i32
    scf.if %cond3A_110 {
      %broadcast_in_dim3A_161 = arith.constant 0 : i32
      %broadcast_in_dim3A_162 = vector.broadcast %broadcast_in_dim3A_161 : i32 to vector<512x32xi32>
      %swap3A = arith.constant 0 : index
      %swap3A_163 = arith.constant 128 : index
      %swap3A_164 = vector.load %arg9[%swap3A, %swap3A_163] : memref<512x320xi32, #tpu.memory_space<vmem>>, vector<512x32xi32>
      tpu.vector_store %arg9[%swap3A, %swap3A_163], %broadcast_in_dim3A_162 {strides = array<i32>} : memref<512x320xi32, #tpu.memory_space<vmem>>, vector<512x32xi32>,
    } else {
    }
    %le3A_111 = arith.constant 5 : i32
    %le3A_112 = arith.cmpi sle, %arg0, %le3A_111 : i32
    %convert_element_type3A_113 = arith.extui %le3A_112 : i1 to i32
    %cond3A_114 = arith.constant 0 : i32
    %cond3A_115 = arith.cmpi ne, %convert_element_type3A_113, %cond3A_114 : i32
    scf.if %cond3A_115 {
      %get3A_161 = arith.constant 0 : index
      %get3A_162 = arith.constant 2560 : index
      %get3A_163 = vector.load %arg5[%get3A_161, %get3A_162] : memref<1x5120xf32, #tpu.memory_space<vmem>>, vector<1x512xf32>
      %get3A_164 = arith.constant 0 : index
      %get3A_165 = arith.constant 2560 : index
      %get3A_166 = vector.load %arg6[%get3A_164, %get3A_165] : memref<1x5120xf32, #tpu.memory_space<vmem>>, vector<1x512xf32>
      %get3A_167 = arith.constant 0 : index
      %get3A_168 = arith.constant 2560 : index
      %get3A_169 = vector.load %arg7[%get3A_167, %get3A_168] : memref<1x5120xf32, #tpu.memory_space<vmem>>, vector<1x512xf32>
      %get3A_170 = arith.constant 0 : index
      %get3A_171 = arith.constant 2560 : index
      %get3A_172 = vector.load %arg8[%get3A_170, %get3A_171] : memref<1x5120xf32, #tpu.memory_space<vmem>>, vector<1x512xf32>
      %sub3A_173 = arith.subf %get3A_169, %get3A_163 : vector<1x512xf32>
      %sub3A_174 = arith.subf %get3A_172, %get3A_166 : vector<1x512xf32>
      %mul3A_175 = arith.mulf %sub3A_173, %sub3A_174 : vector<1x512xf32>
      %max3A = vector.broadcast %get3A_1 : vector<512x1xf32> to vector<512x512xf32>
      %max3A_176 = vector.broadcast %get3A_163 : vector<1x512xf32> to vector<512x512xf32>
      %max3A_177 = arith.maximumf %max3A, %max3A_176 : vector<512x512xf32>
      %max3A_178 = vector.broadcast %get3A_4 : vector<512x1xf32> to vector<512x512xf32>
      %max3A_179 = vector.broadcast %get3A_166 : vector<1x512xf32> to vector<512x512xf32>
      %max3A_180 = arith.maximumf %max3A_178, %max3A_179 : vector<512x512xf32>
      %min3A = vector.broadcast %get3A_7 : vector<512x1xf32> to vector<512x512xf32>
      %min3A_181 = vector.broadcast %get3A_169 : vector<1x512xf32> to vector<512x512xf32>
      %min3A_182 = arith.minimumf %min3A, %min3A_181 : vector<512x512xf32>
      %min3A_183 = vector.broadcast %get3A_10 : vector<512x1xf32> to vector<512x512xf32>
      %min3A_184 = vector.broadcast %get3A_172 : vector<1x512xf32> to vector<512x512xf32>
      %min3A_185 = arith.minimumf %min3A_183, %min3A_184 : vector<512x512xf32>
      %sub3A_186 = arith.subf %min3A_182, %max3A_177 : vector<512x512xf32>
      %jit3A_187 = arith.constant 0.000000e+00 : f32
      %max3A_188 = vector.broadcast %jit3A_187 : f32 to vector<512x512xf32>
      %max3A_189 = arith.maximumf %max3A_188, %sub3A_186 : vector<512x512xf32>
      %sub3A_190 = arith.subf %min3A_185, %max3A_180 : vector<512x512xf32>
      %jit3A_191 = arith.constant 0.000000e+00 : f32
      %max3A_192 = vector.broadcast %jit3A_191 : f32 to vector<512x512xf32>
      %max3A_193 = arith.maximumf %max3A_192, %sub3A_190 : vector<512x512xf32>
      %mul3A_194 = arith.mulf %max3A_189, %max3A_193 : vector<512x512xf32>
      %add3A_195 = vector.broadcast %mul3A : vector<512x1xf32> to vector<512x512xf32>
      %add3A_196 = vector.broadcast %mul3A_175 : vector<1x512xf32> to vector<512x512xf32>
      %add3A_197 = arith.addf %add3A_195, %add3A_196 : vector<512x512xf32>
      %sub3A_198 = arith.subf %add3A_197, %mul3A_194 : vector<512x512xf32>
      %max3A_199 = arith.constant 9.99999997E-7 : f32
      %max3A_200 = vector.broadcast %max3A_199 : f32 to vector<512x512xf32>
      %max3A_201 = arith.maximumf %sub3A_198, %max3A_200 : vector<512x512xf32>
      %div3A_202 = arith.divf %mul3A_194, %max3A_201 : vector<512x512xf32>
      %gt3A_203 = arith.constant 5.000000e-01 : f32
      %gt3A_204 = vector.broadcast %gt3A_203 : f32 to vector<512x512xf32>
      %gt3A_205 = arith.cmpf ogt, %div3A_202, %gt3A_204 : vector<512x512xf32>
      %lt3A_206 = arith.constant 5 : i32
      %lt3A_207 = arith.cmpi slt, %arg0, %lt3A_206 : i32
      %or3A = vector.broadcast %lt3A_207 : i1 to vector<512x512xi1>
      %or3A_208 = arith.ori %gt3A, %or3A : vector<512x512xi1>
      %and3A_209 = arith.andi %gt3A_205, %or3A_208 : vector<512x512xi1>
      %convert_element_type3A_210 = arith.extui %and3A_209 : vector<512x512xi1> to vector<512x512xi32>
      %convert_element_type3A_211 = arith.sitofp %convert_element_type3A_210 : vector<512x512xi32> to vector<512x512xf32>
      %convert_element_type3A_212 = arith.truncf %convert_element_type3A_211 : vector<512x512xf32> to vector<512x512xbf16>
      %dot_general3A = arith.constant dense<0.000000e+00> : vector<512x32xf32>
      %dot_general3A_213 = tpu.matmul %convert_element_type3A_212, %convert_element_type3A, %dot_general3A {dimension_numbers = #tpu.dot_dimension_numbers<[1], [0], [0], [1], [0, 0, 1, 1], [], []>, transpose_lhs_hint = false} : vector<512x512xbf16>, vector<512x32xbf16>, vector<512x32xf32> -> vector<512x32xf32>
      %convert_element_type3A_214 = arith.fptosi %dot_general3A_213 : vector<512x32xf32> to vector<512x32xi32>
      %swap3A = arith.constant 0 : index
      %swap3A_215 = arith.constant 160 : index
      %swap3A_216 = vector.load %arg9[%swap3A, %swap3A_215] : memref<512x320xi32, #tpu.memory_space<vmem>>, vector<512x32xi32>
      tpu.vector_store %arg9[%swap3A, %swap3A_215], %convert_element_type3A_214 {strides = array<i32>} : memref<512x320xi32, #tpu.memory_space<vmem>>, vector<512x32xi32>,
    } else {
    }
    %gt3A_116 = arith.constant 5 : i32
    %gt3A_117 = arith.cmpi sgt, %arg0, %gt3A_116 : i32
    %convert_element_type3A_118 = arith.extui %gt3A_117 : i1 to i32
    %cond3A_119 = arith.constant 0 : i32
    %cond3A_120 = arith.cmpi ne, %convert_element_type3A_118, %cond3A_119 : i32
    scf.if %cond3A_120 {
      %broadcast_in_dim3A_161 = arith.constant 0 : i32
      %broadcast_in_dim3A_162 = vector.broadcast %broadcast_in_dim3A_161 : i32 to vector<512x32xi32>
      %swap3A = arith.constant 0 : index
      %swap3A_163 = arith.constant 160 : index
      %swap3A_164 = vector.load %arg9[%swap3A, %swap3A_163] : memref<512x320xi32, #tpu.memory_space<vmem>>, vector<512x32xi32>
      tpu.vector_store %arg9[%swap3A, %swap3A_163], %broadcast_in_dim3A_162 {strides = array<i32>} : memref<512x320xi32, #tpu.memory_space<vmem>>, vector<512x32xi32>,
    } else {
    }
    %le3A_121 = arith.constant 6 : i32
    %le3A_122 = arith.cmpi sle, %arg0, %le3A_121 : i32
    %convert_element_type3A_123 = arith.extui %le3A_122 : i1 to i32
    %cond3A_124 = arith.constant 0 : i32
    %cond3A_125 = arith.cmpi ne, %convert_element_type3A_123, %cond3A_124 : i32
    scf.if %cond3A_125 {
      %get3A_161 = arith.constant 0 : index
      %get3A_162 = arith.constant 3072 : index
      %get3A_163 = vector.load %arg5[%get3A_161, %get3A_162] : memref<1x5120xf32, #tpu.memory_space<vmem>>, vector<1x512xf32>
      %get3A_164 = arith.constant 0 : index
      %get3A_165 = arith.constant 3072 : index
      %get3A_166 = vector.load %arg6[%get3A_164, %get3A_165] : memref<1x5120xf32, #tpu.memory_space<vmem>>, vector<1x512xf32>
      %get3A_167 = arith.constant 0 : index
      %get3A_168 = arith.constant 3072 : index
      %get3A_169 = vector.load %arg7[%get3A_167, %get3A_168] : memref<1x5120xf32, #tpu.memory_space<vmem>>, vector<1x512xf32>
      %get3A_170 = arith.constant 0 : index
      %get3A_171 = arith.constant 3072 : index
      %get3A_172 = vector.load %arg8[%get3A_170, %get3A_171] : memref<1x5120xf32, #tpu.memory_space<vmem>>, vector<1x512xf32>
      %sub3A_173 = arith.subf %get3A_169, %get3A_163 : vector<1x512xf32>
      %sub3A_174 = arith.subf %get3A_172, %get3A_166 : vector<1x512xf32>
      %mul3A_175 = arith.mulf %sub3A_173, %sub3A_174 : vector<1x512xf32>
      %max3A = vector.broadcast %get3A_1 : vector<512x1xf32> to vector<512x512xf32>
      %max3A_176 = vector.broadcast %get3A_163 : vector<1x512xf32> to vector<512x512xf32>
      %max3A_177 = arith.maximumf %max3A, %max3A_176 : vector<512x512xf32>
      %max3A_178 = vector.broadcast %get3A_4 : vector<512x1xf32> to vector<512x512xf32>
      %max3A_179 = vector.broadcast %get3A_166 : vector<1x512xf32> to vector<512x512xf32>
      %max3A_180 = arith.maximumf %max3A_178, %max3A_179 : vector<512x512xf32>
      %min3A = vector.broadcast %get3A_7 : vector<512x1xf32> to vector<512x512xf32>
      %min3A_181 = vector.broadcast %get3A_169 : vector<1x512xf32> to vector<512x512xf32>
      %min3A_182 = arith.minimumf %min3A, %min3A_181 : vector<512x512xf32>
      %min3A_183 = vector.broadcast %get3A_10 : vector<512x1xf32> to vector<512x512xf32>
      %min3A_184 = vector.broadcast %get3A_172 : vector<1x512xf32> to vector<512x512xf32>
      %min3A_185 = arith.minimumf %min3A_183, %min3A_184 : vector<512x512xf32>
      %sub3A_186 = arith.subf %min3A_182, %max3A_177 : vector<512x512xf32>
      %jit3A_187 = arith.constant 0.000000e+00 : f32
      %max3A_188 = vector.broadcast %jit3A_187 : f32 to vector<512x512xf32>
      %max3A_189 = arith.maximumf %max3A_188, %sub3A_186 : vector<512x512xf32>
      %sub3A_190 = arith.subf %min3A_185, %max3A_180 : vector<512x512xf32>
      %jit3A_191 = arith.constant 0.000000e+00 : f32
      %max3A_192 = vector.broadcast %jit3A_191 : f32 to vector<512x512xf32>
      %max3A_193 = arith.maximumf %max3A_192, %sub3A_190 : vector<512x512xf32>
      %mul3A_194 = arith.mulf %max3A_189, %max3A_193 : vector<512x512xf32>
      %add3A_195 = vector.broadcast %mul3A : vector<512x1xf32> to vector<512x512xf32>
      %add3A_196 = vector.broadcast %mul3A_175 : vector<1x512xf32> to vector<512x512xf32>
      %add3A_197 = arith.addf %add3A_195, %add3A_196 : vector<512x512xf32>
      %sub3A_198 = arith.subf %add3A_197, %mul3A_194 : vector<512x512xf32>
      %max3A_199 = arith.constant 9.99999997E-7 : f32
      %max3A_200 = vector.broadcast %max3A_199 : f32 to vector<512x512xf32>
      %max3A_201 = arith.maximumf %sub3A_198, %max3A_200 : vector<512x512xf32>
      %div3A_202 = arith.divf %mul3A_194, %max3A_201 : vector<512x512xf32>
      %gt3A_203 = arith.constant 5.000000e-01 : f32
      %gt3A_204 = vector.broadcast %gt3A_203 : f32 to vector<512x512xf32>
      %gt3A_205 = arith.cmpf ogt, %div3A_202, %gt3A_204 : vector<512x512xf32>
      %lt3A_206 = arith.constant 6 : i32
      %lt3A_207 = arith.cmpi slt, %arg0, %lt3A_206 : i32
      %or3A = vector.broadcast %lt3A_207 : i1 to vector<512x512xi1>
      %or3A_208 = arith.ori %gt3A, %or3A : vector<512x512xi1>
      %and3A_209 = arith.andi %gt3A_205, %or3A_208 : vector<512x512xi1>
      %convert_element_type3A_210 = arith.extui %and3A_209 : vector<512x512xi1> to vector<512x512xi32>
      %convert_element_type3A_211 = arith.sitofp %convert_element_type3A_210 : vector<512x512xi32> to vector<512x512xf32>
      %convert_element_type3A_212 = arith.truncf %convert_element_type3A_211 : vector<512x512xf32> to vector<512x512xbf16>
      %dot_general3A = arith.constant dense<0.000000e+00> : vector<512x32xf32>
      %dot_general3A_213 = tpu.matmul %convert_element_type3A_212, %convert_element_type3A, %dot_general3A {dimension_numbers = #tpu.dot_dimension_numbers<[1], [0], [0], [1], [0, 0, 1, 1], [], []>, transpose_lhs_hint = false} : vector<512x512xbf16>, vector<512x32xbf16>, vector<512x32xf32> -> vector<512x32xf32>
      %convert_element_type3A_214 = arith.fptosi %dot_general3A_213 : vector<512x32xf32> to vector<512x32xi32>
      %swap3A = arith.constant 0 : index
      %swap3A_215 = arith.constant 192 : index
      %swap3A_216 = vector.load %arg9[%swap3A, %swap3A_215] : memref<512x320xi32, #tpu.memory_space<vmem>>, vector<512x32xi32>
      tpu.vector_store %arg9[%swap3A, %swap3A_215], %convert_element_type3A_214 {strides = array<i32>} : memref<512x320xi32, #tpu.memory_space<vmem>>, vector<512x32xi32>,
    } else {
    }
    %gt3A_126 = arith.constant 6 : i32
    %gt3A_127 = arith.cmpi sgt, %arg0, %gt3A_126 : i32
    %convert_element_type3A_128 = arith.extui %gt3A_127 : i1 to i32
    %cond3A_129 = arith.constant 0 : i32
    %cond3A_130 = arith.cmpi ne, %convert_element_type3A_128, %cond3A_129 : i32
    scf.if %cond3A_130 {
      %broadcast_in_dim3A_161 = arith.constant 0 : i32
      %broadcast_in_dim3A_162 = vector.broadcast %broadcast_in_dim3A_161 : i32 to vector<512x32xi32>
      %swap3A = arith.constant 0 : index
      %swap3A_163 = arith.constant 192 : index
      %swap3A_164 = vector.load %arg9[%swap3A, %swap3A_163] : memref<512x320xi32, #tpu.memory_space<vmem>>, vector<512x32xi32>
      tpu.vector_store %arg9[%swap3A, %swap3A_163], %broadcast_in_dim3A_162 {strides = array<i32>} : memref<512x320xi32, #tpu.memory_space<vmem>>, vector<512x32xi32>,
    } else {
    }
    %le3A_131 = arith.constant 7 : i32
    %le3A_132 = arith.cmpi sle, %arg0, %le3A_131 : i32
    %convert_element_type3A_133 = arith.extui %le3A_132 : i1 to i32
    %cond3A_134 = arith.constant 0 : i32
    %cond3A_135 = arith.cmpi ne, %convert_element_type3A_133, %cond3A_134 : i32
    scf.if %cond3A_135 {
      %get3A_161 = arith.constant 0 : index
      %get3A_162 = arith.constant 3584 : index
      %get3A_163 = vector.load %arg5[%get3A_161, %get3A_162] : memref<1x5120xf32, #tpu.memory_space<vmem>>, vector<1x512xf32>
      %get3A_164 = arith.constant 0 : index
      %get3A_165 = arith.constant 3584 : index
      %get3A_166 = vector.load %arg6[%get3A_164, %get3A_165] : memref<1x5120xf32, #tpu.memory_space<vmem>>, vector<1x512xf32>
      %get3A_167 = arith.constant 0 : index
      %get3A_168 = arith.constant 3584 : index
      %get3A_169 = vector.load %arg7[%get3A_167, %get3A_168] : memref<1x5120xf32, #tpu.memory_space<vmem>>, vector<1x512xf32>
      %get3A_170 = arith.constant 0 : index
      %get3A_171 = arith.constant 3584 : index
      %get3A_172 = vector.load %arg8[%get3A_170, %get3A_171] : memref<1x5120xf32, #tpu.memory_space<vmem>>, vector<1x512xf32>
      %sub3A_173 = arith.subf %get3A_169, %get3A_163 : vector<1x512xf32>
      %sub3A_174 = arith.subf %get3A_172, %get3A_166 : vector<1x512xf32>
      %mul3A_175 = arith.mulf %sub3A_173, %sub3A_174 : vector<1x512xf32>
      %max3A = vector.broadcast %get3A_1 : vector<512x1xf32> to vector<512x512xf32>
      %max3A_176 = vector.broadcast %get3A_163 : vector<1x512xf32> to vector<512x512xf32>
      %max3A_177 = arith.maximumf %max3A, %max3A_176 : vector<512x512xf32>
      %max3A_178 = vector.broadcast %get3A_4 : vector<512x1xf32> to vector<512x512xf32>
      %max3A_179 = vector.broadcast %get3A_166 : vector<1x512xf32> to vector<512x512xf32>
      %max3A_180 = arith.maximumf %max3A_178, %max3A_179 : vector<512x512xf32>
      %min3A = vector.broadcast %get3A_7 : vector<512x1xf32> to vector<512x512xf32>
      %min3A_181 = vector.broadcast %get3A_169 : vector<1x512xf32> to vector<512x512xf32>
      %min3A_182 = arith.minimumf %min3A, %min3A_181 : vector<512x512xf32>
      %min3A_183 = vector.broadcast %get3A_10 : vector<512x1xf32> to vector<512x512xf32>
      %min3A_184 = vector.broadcast %get3A_172 : vector<1x512xf32> to vector<512x512xf32>
      %min3A_185 = arith.minimumf %min3A_183, %min3A_184 : vector<512x512xf32>
      %sub3A_186 = arith.subf %min3A_182, %max3A_177 : vector<512x512xf32>
      %jit3A_187 = arith.constant 0.000000e+00 : f32
      %max3A_188 = vector.broadcast %jit3A_187 : f32 to vector<512x512xf32>
      %max3A_189 = arith.maximumf %max3A_188, %sub3A_186 : vector<512x512xf32>
      %sub3A_190 = arith.subf %min3A_185, %max3A_180 : vector<512x512xf32>
      %jit3A_191 = arith.constant 0.000000e+00 : f32
      %max3A_192 = vector.broadcast %jit3A_191 : f32 to vector<512x512xf32>
      %max3A_193 = arith.maximumf %max3A_192, %sub3A_190 : vector<512x512xf32>
      %mul3A_194 = arith.mulf %max3A_189, %max3A_193 : vector<512x512xf32>
      %add3A_195 = vector.broadcast %mul3A : vector<512x1xf32> to vector<512x512xf32>
      %add3A_196 = vector.broadcast %mul3A_175 : vector<1x512xf32> to vector<512x512xf32>
      %add3A_197 = arith.addf %add3A_195, %add3A_196 : vector<512x512xf32>
      %sub3A_198 = arith.subf %add3A_197, %mul3A_194 : vector<512x512xf32>
      %max3A_199 = arith.constant 9.99999997E-7 : f32
      %max3A_200 = vector.broadcast %max3A_199 : f32 to vector<512x512xf32>
      %max3A_201 = arith.maximumf %sub3A_198, %max3A_200 : vector<512x512xf32>
      %div3A_202 = arith.divf %mul3A_194, %max3A_201 : vector<512x512xf32>
      %gt3A_203 = arith.constant 5.000000e-01 : f32
      %gt3A_204 = vector.broadcast %gt3A_203 : f32 to vector<512x512xf32>
      %gt3A_205 = arith.cmpf ogt, %div3A_202, %gt3A_204 : vector<512x512xf32>
      %lt3A_206 = arith.constant 7 : i32
      %lt3A_207 = arith.cmpi slt, %arg0, %lt3A_206 : i32
      %or3A = vector.broadcast %lt3A_207 : i1 to vector<512x512xi1>
      %or3A_208 = arith.ori %gt3A, %or3A : vector<512x512xi1>
      %and3A_209 = arith.andi %gt3A_205, %or3A_208 : vector<512x512xi1>
      %convert_element_type3A_210 = arith.extui %and3A_209 : vector<512x512xi1> to vector<512x512xi32>
      %convert_element_type3A_211 = arith.sitofp %convert_element_type3A_210 : vector<512x512xi32> to vector<512x512xf32>
      %convert_element_type3A_212 = arith.truncf %convert_element_type3A_211 : vector<512x512xf32> to vector<512x512xbf16>
      %dot_general3A = arith.constant dense<0.000000e+00> : vector<512x32xf32>
      %dot_general3A_213 = tpu.matmul %convert_element_type3A_212, %convert_element_type3A, %dot_general3A {dimension_numbers = #tpu.dot_dimension_numbers<[1], [0], [0], [1], [0, 0, 1, 1], [], []>, transpose_lhs_hint = false} : vector<512x512xbf16>, vector<512x32xbf16>, vector<512x32xf32> -> vector<512x32xf32>
      %convert_element_type3A_214 = arith.fptosi %dot_general3A_213 : vector<512x32xf32> to vector<512x32xi32>
      %swap3A = arith.constant 0 : index
      %swap3A_215 = arith.constant 224 : index
      %swap3A_216 = vector.load %arg9[%swap3A, %swap3A_215] : memref<512x320xi32, #tpu.memory_space<vmem>>, vector<512x32xi32>
      tpu.vector_store %arg9[%swap3A, %swap3A_215], %convert_element_type3A_214 {strides = array<i32>} : memref<512x320xi32, #tpu.memory_space<vmem>>, vector<512x32xi32>,
    } else {
    }
    %gt3A_136 = arith.constant 7 : i32
    %gt3A_137 = arith.cmpi sgt, %arg0, %gt3A_136 : i32
    %convert_element_type3A_138 = arith.extui %gt3A_137 : i1 to i32
    %cond3A_139 = arith.constant 0 : i32
    %cond3A_140 = arith.cmpi ne, %convert_element_type3A_138, %cond3A_139 : i32
    scf.if %cond3A_140 {
      %broadcast_in_dim3A_161 = arith.constant 0 : i32
      %broadcast_in_dim3A_162 = vector.broadcast %broadcast_in_dim3A_161 : i32 to vector<512x32xi32>
      %swap3A = arith.constant 0 : index
      %swap3A_163 = arith.constant 224 : index
      %swap3A_164 = vector.load %arg9[%swap3A, %swap3A_163] : memref<512x320xi32, #tpu.memory_space<vmem>>, vector<512x32xi32>
      tpu.vector_store %arg9[%swap3A, %swap3A_163], %broadcast_in_dim3A_162 {strides = array<i32>} : memref<512x320xi32, #tpu.memory_space<vmem>>, vector<512x32xi32>,
    } else {
    }
    %le3A_141 = arith.constant 8 : i32
    %le3A_142 = arith.cmpi sle, %arg0, %le3A_141 : i32
    %convert_element_type3A_143 = arith.extui %le3A_142 : i1 to i32
    %cond3A_144 = arith.constant 0 : i32
    %cond3A_145 = arith.cmpi ne, %convert_element_type3A_143, %cond3A_144 : i32
    scf.if %cond3A_145 {
      %get3A_161 = arith.constant 0 : index
      %get3A_162 = arith.constant 4096 : index
      %get3A_163 = vector.load %arg5[%get3A_161, %get3A_162] : memref<1x5120xf32, #tpu.memory_space<vmem>>, vector<1x512xf32>
      %get3A_164 = arith.constant 0 : index
      %get3A_165 = arith.constant 4096 : index
      %get3A_166 = vector.load %arg6[%get3A_164, %get3A_165] : memref<1x5120xf32, #tpu.memory_space<vmem>>, vector<1x512xf32>
      %get3A_167 = arith.constant 0 : index
      %get3A_168 = arith.constant 4096 : index
      %get3A_169 = vector.load %arg7[%get3A_167, %get3A_168] : memref<1x5120xf32, #tpu.memory_space<vmem>>, vector<1x512xf32>
      %get3A_170 = arith.constant 0 : index
      %get3A_171 = arith.constant 4096 : index
      %get3A_172 = vector.load %arg8[%get3A_170, %get3A_171] : memref<1x5120xf32, #tpu.memory_space<vmem>>, vector<1x512xf32>
      %sub3A_173 = arith.subf %get3A_169, %get3A_163 : vector<1x512xf32>
      %sub3A_174 = arith.subf %get3A_172, %get3A_166 : vector<1x512xf32>
      %mul3A_175 = arith.mulf %sub3A_173, %sub3A_174 : vector<1x512xf32>
      %max3A = vector.broadcast %get3A_1 : vector<512x1xf32> to vector<512x512xf32>
      %max3A_176 = vector.broadcast %get3A_163 : vector<1x512xf32> to vector<512x512xf32>
      %max3A_177 = arith.maximumf %max3A, %max3A_176 : vector<512x512xf32>
      %max3A_178 = vector.broadcast %get3A_4 : vector<512x1xf32> to vector<512x512xf32>
      %max3A_179 = vector.broadcast %get3A_166 : vector<1x512xf32> to vector<512x512xf32>
      %max3A_180 = arith.maximumf %max3A_178, %max3A_179 : vector<512x512xf32>
      %min3A = vector.broadcast %get3A_7 : vector<512x1xf32> to vector<512x512xf32>
      %min3A_181 = vector.broadcast %get3A_169 : vector<1x512xf32> to vector<512x512xf32>
      %min3A_182 = arith.minimumf %min3A, %min3A_181 : vector<512x512xf32>
      %min3A_183 = vector.broadcast %get3A_10 : vector<512x1xf32> to vector<512x512xf32>
      %min3A_184 = vector.broadcast %get3A_172 : vector<1x512xf32> to vector<512x512xf32>
      %min3A_185 = arith.minimumf %min3A_183, %min3A_184 : vector<512x512xf32>
      %sub3A_186 = arith.subf %min3A_182, %max3A_177 : vector<512x512xf32>
      %jit3A_187 = arith.constant 0.000000e+00 : f32
      %max3A_188 = vector.broadcast %jit3A_187 : f32 to vector<512x512xf32>
      %max3A_189 = arith.maximumf %max3A_188, %sub3A_186 : vector<512x512xf32>
      %sub3A_190 = arith.subf %min3A_185, %max3A_180 : vector<512x512xf32>
      %jit3A_191 = arith.constant 0.000000e+00 : f32
      %max3A_192 = vector.broadcast %jit3A_191 : f32 to vector<512x512xf32>
      %max3A_193 = arith.maximumf %max3A_192, %sub3A_190 : vector<512x512xf32>
      %mul3A_194 = arith.mulf %max3A_189, %max3A_193 : vector<512x512xf32>
      %add3A_195 = vector.broadcast %mul3A : vector<512x1xf32> to vector<512x512xf32>
      %add3A_196 = vector.broadcast %mul3A_175 : vector<1x512xf32> to vector<512x512xf32>
      %add3A_197 = arith.addf %add3A_195, %add3A_196 : vector<512x512xf32>
      %sub3A_198 = arith.subf %add3A_197, %mul3A_194 : vector<512x512xf32>
      %max3A_199 = arith.constant 9.99999997E-7 : f32
      %max3A_200 = vector.broadcast %max3A_199 : f32 to vector<512x512xf32>
      %max3A_201 = arith.maximumf %sub3A_198, %max3A_200 : vector<512x512xf32>
      %div3A_202 = arith.divf %mul3A_194, %max3A_201 : vector<512x512xf32>
      %gt3A_203 = arith.constant 5.000000e-01 : f32
      %gt3A_204 = vector.broadcast %gt3A_203 : f32 to vector<512x512xf32>
      %gt3A_205 = arith.cmpf ogt, %div3A_202, %gt3A_204 : vector<512x512xf32>
      %lt3A_206 = arith.constant 8 : i32
      %lt3A_207 = arith.cmpi slt, %arg0, %lt3A_206 : i32
      %or3A = vector.broadcast %lt3A_207 : i1 to vector<512x512xi1>
      %or3A_208 = arith.ori %gt3A, %or3A : vector<512x512xi1>
      %and3A_209 = arith.andi %gt3A_205, %or3A_208 : vector<512x512xi1>
      %convert_element_type3A_210 = arith.extui %and3A_209 : vector<512x512xi1> to vector<512x512xi32>
      %convert_element_type3A_211 = arith.sitofp %convert_element_type3A_210 : vector<512x512xi32> to vector<512x512xf32>
      %convert_element_type3A_212 = arith.truncf %convert_element_type3A_211 : vector<512x512xf32> to vector<512x512xbf16>
      %dot_general3A = arith.constant dense<0.000000e+00> : vector<512x32xf32>
      %dot_general3A_213 = tpu.matmul %convert_element_type3A_212, %convert_element_type3A, %dot_general3A {dimension_numbers = #tpu.dot_dimension_numbers<[1], [0], [0], [1], [0, 0, 1, 1], [], []>, transpose_lhs_hint = false} : vector<512x512xbf16>, vector<512x32xbf16>, vector<512x32xf32> -> vector<512x32xf32>
      %convert_element_type3A_214 = arith.fptosi %dot_general3A_213 : vector<512x32xf32> to vector<512x32xi32>
      %swap3A = arith.constant 0 : index
      %swap3A_215 = arith.constant 256 : index
      %swap3A_216 = vector.load %arg9[%swap3A, %swap3A_215] : memref<512x320xi32, #tpu.memory_space<vmem>>, vector<512x32xi32>
      tpu.vector_store %arg9[%swap3A, %swap3A_215], %convert_element_type3A_214 {strides = array<i32>} : memref<512x320xi32, #tpu.memory_space<vmem>>, vector<512x32xi32>,
    } else {
    }
    %gt3A_146 = arith.constant 8 : i32
    %gt3A_147 = arith.cmpi sgt, %arg0, %gt3A_146 : i32
    %convert_element_type3A_148 = arith.extui %gt3A_147 : i1 to i32
    %cond3A_149 = arith.constant 0 : i32
    %cond3A_150 = arith.cmpi ne, %convert_element_type3A_148, %cond3A_149 : i32
    scf.if %cond3A_150 {
      %broadcast_in_dim3A_161 = arith.constant 0 : i32
      %broadcast_in_dim3A_162 = vector.broadcast %broadcast_in_dim3A_161 : i32 to vector<512x32xi32>
      %swap3A = arith.constant 0 : index
      %swap3A_163 = arith.constant 256 : index
      %swap3A_164 = vector.load %arg9[%swap3A, %swap3A_163] : memref<512x320xi32, #tpu.memory_space<vmem>>, vector<512x32xi32>
      tpu.vector_store %arg9[%swap3A, %swap3A_163], %broadcast_in_dim3A_162 {strides = array<i32>} : memref<512x320xi32, #tpu.memory_space<vmem>>, vector<512x32xi32>,
    } else {
    }
    %le3A_151 = arith.constant 9 : i32
    %le3A_152 = arith.cmpi sle, %arg0, %le3A_151 : i32
    %convert_element_type3A_153 = arith.extui %le3A_152 : i1 to i32
    %cond3A_154 = arith.constant 0 : i32
    %cond3A_155 = arith.cmpi ne, %convert_element_type3A_153, %cond3A_154 : i32
    scf.if %cond3A_155 {
      %get3A_161 = arith.constant 0 : index
      %get3A_162 = arith.constant 4608 : index
      %get3A_163 = vector.load %arg5[%get3A_161, %get3A_162] : memref<1x5120xf32, #tpu.memory_space<vmem>>, vector<1x512xf32>
      %get3A_164 = arith.constant 0 : index
      %get3A_165 = arith.constant 4608 : index
      %get3A_166 = vector.load %arg6[%get3A_164, %get3A_165] : memref<1x5120xf32, #tpu.memory_space<vmem>>, vector<1x512xf32>
      %get3A_167 = arith.constant 0 : index
      %get3A_168 = arith.constant 4608 : index
      %get3A_169 = vector.load %arg7[%get3A_167, %get3A_168] : memref<1x5120xf32, #tpu.memory_space<vmem>>, vector<1x512xf32>
      %get3A_170 = arith.constant 0 : index
      %get3A_171 = arith.constant 4608 : index
      %get3A_172 = vector.load %arg8[%get3A_170, %get3A_171] : memref<1x5120xf32, #tpu.memory_space<vmem>>, vector<1x512xf32>
      %sub3A_173 = arith.subf %get3A_169, %get3A_163 : vector<1x512xf32>
      %sub3A_174 = arith.subf %get3A_172, %get3A_166 : vector<1x512xf32>
      %mul3A_175 = arith.mulf %sub3A_173, %sub3A_174 : vector<1x512xf32>
      %max3A = vector.broadcast %get3A_1 : vector<512x1xf32> to vector<512x512xf32>
      %max3A_176 = vector.broadcast %get3A_163 : vector<1x512xf32> to vector<512x512xf32>
      %max3A_177 = arith.maximumf %max3A, %max3A_176 : vector<512x512xf32>
      %max3A_178 = vector.broadcast %get3A_4 : vector<512x1xf32> to vector<512x512xf32>
      %max3A_179 = vector.broadcast %get3A_166 : vector<1x512xf32> to vector<512x512xf32>
      %max3A_180 = arith.maximumf %max3A_178, %max3A_179 : vector<512x512xf32>
      %min3A = vector.broadcast %get3A_7 : vector<512x1xf32> to vector<512x512xf32>
      %min3A_181 = vector.broadcast %get3A_169 : vector<1x512xf32> to vector<512x512xf32>
      %min3A_182 = arith.minimumf %min3A, %min3A_181 : vector<512x512xf32>
      %min3A_183 = vector.broadcast %get3A_10 : vector<512x1xf32> to vector<512x512xf32>
      %min3A_184 = vector.broadcast %get3A_172 : vector<1x512xf32> to vector<512x512xf32>
      %min3A_185 = arith.minimumf %min3A_183, %min3A_184 : vector<512x512xf32>
      %sub3A_186 = arith.subf %min3A_182, %max3A_177 : vector<512x512xf32>
      %jit3A_187 = arith.constant 0.000000e+00 : f32
      %max3A_188 = vector.broadcast %jit3A_187 : f32 to vector<512x512xf32>
      %max3A_189 = arith.maximumf %max3A_188, %sub3A_186 : vector<512x512xf32>
      %sub3A_190 = arith.subf %min3A_185, %max3A_180 : vector<512x512xf32>
      %jit3A_191 = arith.constant 0.000000e+00 : f32
      %max3A_192 = vector.broadcast %jit3A_191 : f32 to vector<512x512xf32>
      %max3A_193 = arith.maximumf %max3A_192, %sub3A_190 : vector<512x512xf32>
      %mul3A_194 = arith.mulf %max3A_189, %max3A_193 : vector<512x512xf32>
      %add3A_195 = vector.broadcast %mul3A : vector<512x1xf32> to vector<512x512xf32>
      %add3A_196 = vector.broadcast %mul3A_175 : vector<1x512xf32> to vector<512x512xf32>
      %add3A_197 = arith.addf %add3A_195, %add3A_196 : vector<512x512xf32>
      %sub3A_198 = arith.subf %add3A_197, %mul3A_194 : vector<512x512xf32>
      %max3A_199 = arith.constant 9.99999997E-7 : f32
      %max3A_200 = vector.broadcast %max3A_199 : f32 to vector<512x512xf32>
      %max3A_201 = arith.maximumf %sub3A_198, %max3A_200 : vector<512x512xf32>
      %div3A_202 = arith.divf %mul3A_194, %max3A_201 : vector<512x512xf32>
      %gt3A_203 = arith.constant 5.000000e-01 : f32
      %gt3A_204 = vector.broadcast %gt3A_203 : f32 to vector<512x512xf32>
      %gt3A_205 = arith.cmpf ogt, %div3A_202, %gt3A_204 : vector<512x512xf32>
      %add3A_206 = arith.constant 4608 : i32
      %add3A_207 = vector.broadcast %add3A_206 : i32 to vector<512x512xi32>
      %add3A_208 = arith.addi %add3A_207, %iota3A_12 : vector<512x512xi32>
      %lt3A_209 = arith.constant 5000 : i32
      %lt3A_210 = vector.broadcast %lt3A_209 : i32 to vector<512x512xi32>
      %lt3A_211 = arith.cmpi slt, %add3A_208, %lt3A_210 : vector<512x512xi32>
      %and3A_212 = arith.andi %gt3A_205, %lt3A_211 : vector<512x512xi1>
      %lt3A_213 = arith.constant 9 : i32
      %lt3A_214 = arith.cmpi slt, %arg0, %lt3A_213 : i32
      %or3A = vector.broadcast %lt3A_214 : i1 to vector<512x512xi1>
      %or3A_215 = arith.ori %gt3A, %or3A : vector<512x512xi1>
      %and3A_216 = arith.andi %and3A_212, %or3A_215 : vector<512x512xi1>
      %convert_element_type3A_217 = arith.extui %and3A_216 : vector<512x512xi1> to vector<512x512xi32>
      %convert_element_type3A_218 = arith.sitofp %convert_element_type3A_217 : vector<512x512xi32> to vector<512x512xf32>
      %convert_element_type3A_219 = arith.truncf %convert_element_type3A_218 : vector<512x512xf32> to vector<512x512xbf16>
      %dot_general3A = arith.constant dense<0.000000e+00> : vector<512x32xf32>
      %dot_general3A_220 = tpu.matmul %convert_element_type3A_219, %convert_element_type3A, %dot_general3A {dimension_numbers = #tpu.dot_dimension_numbers<[1], [0], [0], [1], [0, 0, 1, 1], [], []>, transpose_lhs_hint = false} : vector<512x512xbf16>, vector<512x32xbf16>, vector<512x32xf32> -> vector<512x32xf32>
      %convert_element_type3A_221 = arith.fptosi %dot_general3A_220 : vector<512x32xf32> to vector<512x32xi32>
      %swap3A = arith.constant 0 : index
      %swap3A_222 = arith.constant 288 : index
      %swap3A_223 = vector.load %arg9[%swap3A, %swap3A_222] : memref<512x320xi32, #tpu.memory_space<vmem>>, vector<512x32xi32>
      tpu.vector_store %arg9[%swap3A, %swap3A_222], %convert_element_type3A_221 {strides = array<i32>} : memref<512x320xi32, #tpu.memory_space<vmem>>, vector<512x32xi32>,
    } else {
    }
    %gt3A_156 = arith.constant 9 : i32
    %gt3A_157 = arith.cmpi sgt, %arg0, %gt3A_156 : i32
    %convert_element_type3A_158 = arith.extui %gt3A_157 : i1 to i32
    %cond3A_159 = arith.constant 0 : i32
    %cond3A_160 = arith.cmpi ne, %convert_element_type3A_158, %cond3A_159 : i32
    scf.if %cond3A_160 {
      %broadcast_in_dim3A_161 = arith.constant 0 : i32
      %broadcast_in_dim3A_162 = vector.broadcast %broadcast_in_dim3A_161 : i32 to vector<512x32xi32>
      %swap3A = arith.constant 0 : index
      %swap3A_163 = arith.constant 288 : index
      %swap3A_164 = vector.load %arg9[%swap3A, %swap3A_163] : memref<512x320xi32, #tpu.memory_space<vmem>>, vector<512x32xi32>
      tpu.vector_store %arg9[%swap3A, %swap3A_163], %broadcast_in_dim3A_162 {strides = array<i32>} : memref<512x320xi32, #tpu.memory_space<vmem>>, vector<512x32xi32>,
    } else {
    }
    return
  }
  func.func @transform_0(%arg0: i32) -> (i32, i32) {
    %c0_i32 = arith.constant 0 : i32
    %c0_i32_0 = arith.constant 0 : i32
    return %arg0, %c0_i32 : i32, i32
  }
  func.func @transform_1(%arg0: i32) -> (i32, i32) {
    %c0_i32 = arith.constant 0 : i32
    %c0_i32_0 = arith.constant 0 : i32
    return %arg0, %c0_i32 : i32, i32
  }
  func.func @transform_2(%arg0: i32) -> (i32, i32) {
    %c0_i32 = arith.constant 0 : i32
    %c0_i32_0 = arith.constant 0 : i32
    return %arg0, %c0_i32 : i32, i32
  }
  func.func @transform_3(%arg0: i32) -> (i32, i32) {
    %c0_i32 = arith.constant 0 : i32
    %c0_i32_0 = arith.constant 0 : i32
    return %arg0, %c0_i32 : i32, i32
  }
  func.func @transform_4(%arg0: i32) -> (i32, i32) {
    %c0_i32 = arith.constant 0 : i32
    %c0_i32_0 = arith.constant 0 : i32
    %c0_i32_1 = arith.constant 0 : i32
    return %c0_i32, %c0_i32_0 : i32, i32
  }
  func.func @transform_5(%arg0: i32) -> (i32, i32) {
    %c0_i32 = arith.constant 0 : i32
    %c0_i32_0 = arith.constant 0 : i32
    %c0_i32_1 = arith.constant 0 : i32
    return %c0_i32, %c0_i32_0 : i32, i32
  }
  func.func @transform_6(%arg0: i32) -> (i32, i32) {
    %c0_i32 = arith.constant 0 : i32
    %c0_i32_0 = arith.constant 0 : i32
    %c0_i32_1 = arith.constant 0 : i32
    return %c0_i32, %c0_i32_0 : i32, i32
  }
  func.func @transform_7(%arg0: i32) -> (i32, i32) {
    %c0_i32 = arith.constant 0 : i32
    %c0_i32_0 = arith.constant 0 : i32
    %c0_i32_1 = arith.constant 0 : i32
    return %c0_i32, %c0_i32_0 : i32, i32
  }
  func.func @transform_8(%arg0: i32) -> (i32, i32) {
    %c0_i32 = arith.constant 0 : i32
    %c0_i32_0 = arith.constant 0 : i32
    return %arg0, %c0_i32 : i32, i32
  }
}

module attributes {stable_mosaic.version = 14 : i64} {
  func.func @_aux_body(%arg0: memref<1x5120xf32, #tpu.memory_space<vmem>>, %arg1: memref<1x5120xf32, #tpu.memory_space<vmem>>, %arg2: memref<1x5120xf32, #tpu.memory_space<vmem>>, %arg3: memref<1x5120xf32, #tpu.memory_space<vmem>>, %arg4: memref<1x5120xf32, #tpu.memory_space<vmem>>, %arg5: memref<1x5120xi32, #tpu.memory_space<vmem>>, %arg6: memref<1x5120xi32, #tpu.memory_space<vmem>>, %arg7: memref<128x1xf32, #tpu.memory_space<vmem>>, %arg8: memref<128x1xf32, #tpu.memory_space<vmem>>, %arg9: memref<128x1xf32, #tpu.memory_space<vmem>>, %arg10: memref<128x1xf32, #tpu.memory_space<vmem>>, %arg11: memref<1x5120xf32, #tpu.memory_space<vmem>>, %arg12: memref<128x1xf32, #tpu.memory_space<vmem>>, %arg13: memref<128x1xi32, #tpu.memory_space<vmem>>) attributes {dimension_semantics = [], scalar_prefetch = 0 : i64, scratch_operands = 0 : i64, tpu.core_type = #tpu.core_type<tc>} {
    %iota3A = tpu.iota {dimensions = array<i32: 0>} : vector<128x1xi32>
    %get3A = arith.constant 0 : index
    %get3A_0 = arith.constant 0 : index
    %get3A_1 = vector.load %arg5[%get3A, %get3A_0] : memref<1x5120xi32, #tpu.memory_space<vmem>>, vector<1x5120xi32>
    %eq3A = vector.broadcast %get3A_1 : vector<1x5120xi32> to vector<128x5120xi32>
    %eq3A_2 = vector.broadcast %iota3A : vector<128x1xi32> to vector<128x5120xi32>
    %eq3A_3 = arith.cmpi eq, %eq3A, %eq3A_2 : vector<128x5120xi32>
    %get3A_4 = arith.constant 0 : index
    %get3A_5 = arith.constant 0 : index
    %get3A_6 = vector.load %arg7[%get3A_4, %get3A_5] : memref<128x1xf32, #tpu.memory_space<vmem>>, vector<128x1xf32>
    %jit3A = arith.constant 0.000000e+00 : f32
    %broadcast_in_dim3A = vector.shape_cast %get3A_6 : vector<128x1xf32> to vector<128x1xf32>
    %broadcast_in_dim3A_7 = vector.broadcast %broadcast_in_dim3A : vector<128x1xf32> to vector<128x5120xf32>
    %broadcast_in_dim3A_8 = vector.broadcast %jit3A : f32 to vector<128x5120xf32>
    %select_n3A = arith.select %eq3A_3, %broadcast_in_dim3A_7, %broadcast_in_dim3A_8 : vector<128x5120xi1>, vector<128x5120xf32>
    %reduce_sum3A = arith.constant dense<0.000000e+00> : vector<5120xf32>
    %reduce_sum3A_9 = vector.multi_reduction <add>, %select_n3A, %reduce_sum3A [0] : vector<128x5120xf32> to vector<5120xf32>
    %broadcast_in_dim3A_10 = vector.shape_cast %reduce_sum3A_9 : vector<5120xf32> to vector<1x5120xf32>
    %get3A_11 = arith.constant 0 : index
    %get3A_12 = arith.constant 0 : index
    %get3A_13 = vector.load %arg8[%get3A_11, %get3A_12] : memref<128x1xf32, #tpu.memory_space<vmem>>, vector<128x1xf32>
    %jit3A_14 = arith.constant 0.000000e+00 : f32
    %broadcast_in_dim3A_15 = vector.shape_cast %get3A_13 : vector<128x1xf32> to vector<128x1xf32>
    %broadcast_in_dim3A_16 = vector.broadcast %broadcast_in_dim3A_15 : vector<128x1xf32> to vector<128x5120xf32>
    %broadcast_in_dim3A_17 = vector.broadcast %jit3A_14 : f32 to vector<128x5120xf32>
    %select_n3A_18 = arith.select %eq3A_3, %broadcast_in_dim3A_16, %broadcast_in_dim3A_17 : vector<128x5120xi1>, vector<128x5120xf32>
    %reduce_sum3A_19 = arith.constant dense<0.000000e+00> : vector<5120xf32>
    %reduce_sum3A_20 = vector.multi_reduction <add>, %select_n3A_18, %reduce_sum3A_19 [0] : vector<128x5120xf32> to vector<5120xf32>
    %broadcast_in_dim3A_21 = vector.shape_cast %reduce_sum3A_20 : vector<5120xf32> to vector<1x5120xf32>
    %get3A_22 = arith.constant 0 : index
    %get3A_23 = arith.constant 0 : index
    %get3A_24 = vector.load %arg9[%get3A_22, %get3A_23] : memref<128x1xf32, #tpu.memory_space<vmem>>, vector<128x1xf32>
    %jit3A_25 = arith.constant 0.000000e+00 : f32
    %broadcast_in_dim3A_26 = vector.shape_cast %get3A_24 : vector<128x1xf32> to vector<128x1xf32>
    %broadcast_in_dim3A_27 = vector.broadcast %broadcast_in_dim3A_26 : vector<128x1xf32> to vector<128x5120xf32>
    %broadcast_in_dim3A_28 = vector.broadcast %jit3A_25 : f32 to vector<128x5120xf32>
    %select_n3A_29 = arith.select %eq3A_3, %broadcast_in_dim3A_27, %broadcast_in_dim3A_28 : vector<128x5120xi1>, vector<128x5120xf32>
    %reduce_sum3A_30 = arith.constant dense<0.000000e+00> : vector<5120xf32>
    %reduce_sum3A_31 = vector.multi_reduction <add>, %select_n3A_29, %reduce_sum3A_30 [0] : vector<128x5120xf32> to vector<5120xf32>
    %broadcast_in_dim3A_32 = vector.shape_cast %reduce_sum3A_31 : vector<5120xf32> to vector<1x5120xf32>
    %get3A_33 = arith.constant 0 : index
    %get3A_34 = arith.constant 0 : index
    %get3A_35 = vector.load %arg10[%get3A_33, %get3A_34] : memref<128x1xf32, #tpu.memory_space<vmem>>, vector<128x1xf32>
    %jit3A_36 = arith.constant 0.000000e+00 : f32
    %broadcast_in_dim3A_37 = vector.shape_cast %get3A_35 : vector<128x1xf32> to vector<128x1xf32>
    %broadcast_in_dim3A_38 = vector.broadcast %broadcast_in_dim3A_37 : vector<128x1xf32> to vector<128x5120xf32>
    %broadcast_in_dim3A_39 = vector.broadcast %jit3A_36 : f32 to vector<128x5120xf32>
    %select_n3A_40 = arith.select %eq3A_3, %broadcast_in_dim3A_38, %broadcast_in_dim3A_39 : vector<128x5120xi1>, vector<128x5120xf32>
    %reduce_sum3A_41 = arith.constant dense<0.000000e+00> : vector<5120xf32>
    %reduce_sum3A_42 = vector.multi_reduction <add>, %select_n3A_40, %reduce_sum3A_41 [0] : vector<128x5120xf32> to vector<5120xf32>
    %broadcast_in_dim3A_43 = vector.shape_cast %reduce_sum3A_42 : vector<5120xf32> to vector<1x5120xf32>
    %get3A_44 = arith.constant 0 : index
    %get3A_45 = arith.constant 0 : index
    %get3A_46 = vector.load %arg0[%get3A_44, %get3A_45] : memref<1x5120xf32, #tpu.memory_space<vmem>>, vector<1x5120xf32>
    %get3A_47 = arith.constant 0 : index
    %get3A_48 = arith.constant 0 : index
    %get3A_49 = vector.load %arg1[%get3A_47, %get3A_48] : memref<1x5120xf32, #tpu.memory_space<vmem>>, vector<1x5120xf32>
    %get3A_50 = arith.constant 0 : index
    %get3A_51 = arith.constant 0 : index
    %get3A_52 = vector.load %arg2[%get3A_50, %get3A_51] : memref<1x5120xf32, #tpu.memory_space<vmem>>, vector<1x5120xf32>
    %get3A_53 = arith.constant 0 : index
    %get3A_54 = arith.constant 0 : index
    %get3A_55 = vector.load %arg3[%get3A_53, %get3A_54] : memref<1x5120xf32, #tpu.memory_space<vmem>>, vector<1x5120xf32>
    %sub3A = arith.subf %broadcast_in_dim3A_32, %broadcast_in_dim3A_10 : vector<1x5120xf32>
    %sub3A_56 = arith.subf %broadcast_in_dim3A_43, %broadcast_in_dim3A_21 : vector<1x5120xf32>
    %mul3A = arith.mulf %sub3A, %sub3A_56 : vector<1x5120xf32>
    %sub3A_57 = arith.subf %get3A_52, %get3A_46 : vector<1x5120xf32>
    %sub3A_58 = arith.subf %get3A_55, %get3A_49 : vector<1x5120xf32>
    %mul3A_59 = arith.mulf %sub3A_57, %sub3A_58 : vector<1x5120xf32>
    %max3A = arith.maximumf %broadcast_in_dim3A_10, %get3A_46 : vector<1x5120xf32>
    %max3A_60 = arith.maximumf %broadcast_in_dim3A_21, %get3A_49 : vector<1x5120xf32>
    %min3A = arith.minimumf %broadcast_in_dim3A_32, %get3A_52 : vector<1x5120xf32>
    %min3A_61 = arith.minimumf %broadcast_in_dim3A_43, %get3A_55 : vector<1x5120xf32>
    %sub3A_62 = arith.subf %min3A, %max3A : vector<1x5120xf32>
    %jit3A_63 = arith.constant 0.000000e+00 : f32
    %max3A_64 = vector.broadcast %jit3A_63 : f32 to vector<1x5120xf32>
    %max3A_65 = arith.maximumf %max3A_64, %sub3A_62 : vector<1x5120xf32>
    %sub3A_66 = arith.subf %min3A_61, %max3A_60 : vector<1x5120xf32>
    %jit3A_67 = arith.constant 0.000000e+00 : f32
    %max3A_68 = vector.broadcast %jit3A_67 : f32 to vector<1x5120xf32>
    %max3A_69 = arith.maximumf %max3A_68, %sub3A_66 : vector<1x5120xf32>
    %mul3A_70 = arith.mulf %max3A_65, %max3A_69 : vector<1x5120xf32>
    %add3A = arith.addf %mul3A, %mul3A_59 : vector<1x5120xf32>
    %sub3A_71 = arith.subf %add3A, %mul3A_70 : vector<1x5120xf32>
    %max3A_72 = arith.constant 9.99999997E-7 : f32
    %max3A_73 = vector.broadcast %max3A_72 : f32 to vector<1x5120xf32>
    %max3A_74 = arith.maximumf %sub3A_71, %max3A_73 : vector<1x5120xf32>
    %div3A = arith.divf %mul3A_70, %max3A_74 : vector<1x5120xf32>
    %jit3A_75 = arith.constant 9.99999997E-7 : f32
    %max3A_76 = vector.broadcast %jit3A_75 : f32 to vector<1x5120xf32>
    %max3A_77 = arith.maximumf %max3A_76, %div3A : vector<1x5120xf32>
    %add3A_78 = arith.constant 5.000000e-01 : f32
    %add3A_79 = vector.broadcast %add3A_78 : f32 to vector<1x5120xf32>
    %add3A_80 = arith.addf %add3A_79, %max3A_77 : vector<1x5120xf32>
    %jit3A_81 = arith.constant 1.000000e+00 : f32
    %min3A_82 = vector.broadcast %jit3A_81 : f32 to vector<1x5120xf32>
    %min3A_83 = arith.minimumf %min3A_82, %add3A_80 : vector<1x5120xf32>
    %log3A = math.log %min3A_83 : vector<1x5120xf32>
    %neg3A = arith.constant 0.000000e+00 : f32
    %neg3A_84 = vector.broadcast %neg3A : f32 to vector<1x5120xf32>
    %neg3A_85 = arith.subf %neg3A_84, %log3A : vector<1x5120xf32>
    %get3A_86 = arith.constant 0 : index
    %get3A_87 = arith.constant 0 : index
    %get3A_88 = vector.load %arg4[%get3A_86, %get3A_87] : memref<1x5120xf32, #tpu.memory_space<vmem>>, vector<1x5120xf32>
    %mul3A_89 = arith.mulf %neg3A_85, %get3A_88 : vector<1x5120xf32>
    %swap3A = arith.constant 0 : index
    %swap3A_90 = arith.constant 0 : index
    %swap3A_91 = vector.load %arg11[%swap3A, %swap3A_90] : memref<1x5120xf32, #tpu.memory_space<vmem>>, vector<1x5120xf32>
    tpu.vector_store %arg11[%swap3A, %swap3A_90], %mul3A_89 {strides = array<i32>} : memref<1x5120xf32, #tpu.memory_space<vmem>>, vector<1x5120xf32>,
    %get3A_92 = arith.constant 0 : index
    %get3A_93 = arith.constant 0 : index
    %get3A_94 = vector.load %arg4[%get3A_92, %get3A_93] : memref<1x5120xf32, #tpu.memory_space<vmem>>, vector<1x5120xf32>
    %jit3A_95 = arith.constant 0xFF800000 : f32
    %broadcast_in_dim3A_96 = vector.shape_cast %get3A_94 : vector<1x5120xf32> to vector<1x5120xf32>
    %broadcast_in_dim3A_97 = vector.broadcast %broadcast_in_dim3A_96 : vector<1x5120xf32> to vector<128x5120xf32>
    %broadcast_in_dim3A_98 = vector.broadcast %jit3A_95 : f32 to vector<128x5120xf32>
    %select_n3A_99 = arith.select %eq3A_3, %broadcast_in_dim3A_97, %broadcast_in_dim3A_98 : vector<128x5120xi1>, vector<128x5120xf32>
    %reduce_max3A = arith.constant dense<0xFF800000> : vector<128xf32>
    %reduce_max3A_100 = vector.multi_reduction <maximumf>, %select_n3A_99, %reduce_max3A [1] : vector<128x5120xf32> to vector<128xf32>
    %broadcast_in_dim3A_101 = vector.shape_cast %reduce_max3A_100 : vector<128xf32> to vector<128x1xf32>
    %eq3A_102 = vector.broadcast %broadcast_in_dim3A_101 : vector<128x1xf32> to vector<128x5120xf32>
    %eq3A_103 = arith.cmpf oeq, %select_n3A_99, %eq3A_102 : vector<128x5120xf32>
    %and3A = arith.andi %eq3A_3, %eq3A_103 : vector<128x5120xi1>
    %get3A_104 = arith.constant 0 : index
    %get3A_105 = arith.constant 0 : index
    %get3A_106 = vector.load %arg6[%get3A_104, %get3A_105] : memref<1x5120xi32, #tpu.memory_space<vmem>>, vector<1x5120xi32>
    %jit3A_107 = arith.constant 5000 : i32
    %broadcast_in_dim3A_108 = vector.shape_cast %get3A_106 : vector<1x5120xi32> to vector<1x5120xi32>
    %broadcast_in_dim3A_109 = vector.broadcast %broadcast_in_dim3A_108 : vector<1x5120xi32> to vector<128x5120xi32>
    %broadcast_in_dim3A_110 = vector.broadcast %jit3A_107 : i32 to vector<128x5120xi32>
    %select_n3A_111 = arith.select %and3A, %broadcast_in_dim3A_109, %broadcast_in_dim3A_110 : vector<128x5120xi1>, vector<128x5120xi32>
    %reduce_min3A = arith.constant dense<2147483647> : vector<128xi32>
    %reduce_min3A_112 = vector.multi_reduction <minsi>, %select_n3A_111, %reduce_min3A [1] : vector<128x5120xi32> to vector<128xi32>
    %broadcast_in_dim3A_113 = vector.shape_cast %reduce_min3A_112 : vector<128xi32> to vector<128x1xi32>
    %eq3A_114 = vector.broadcast %get3A_106 : vector<1x5120xi32> to vector<128x5120xi32>
    %eq3A_115 = vector.broadcast %broadcast_in_dim3A_113 : vector<128x1xi32> to vector<128x5120xi32>
    %eq3A_116 = arith.cmpi eq, %eq3A_114, %eq3A_115 : vector<128x5120xi32>
    %and3A_117 = arith.andi %and3A, %eq3A_116 : vector<128x5120xi1>
    %jit3A_118 = arith.constant 0.000000e+00 : f32
    %broadcast_in_dim3A_119 = vector.shape_cast %get3A_46 : vector<1x5120xf32> to vector<1x5120xf32>
    %broadcast_in_dim3A_120 = vector.broadcast %broadcast_in_dim3A_119 : vector<1x5120xf32> to vector<128x5120xf32>
    %broadcast_in_dim3A_121 = vector.broadcast %jit3A_118 : f32 to vector<128x5120xf32>
    %select_n3A_122 = arith.select %and3A_117, %broadcast_in_dim3A_120, %broadcast_in_dim3A_121 : vector<128x5120xi1>, vector<128x5120xf32>
    %reduce_sum3A_123 = arith.constant dense<0.000000e+00> : vector<128xf32>
    %reduce_sum3A_124 = vector.multi_reduction <add>, %select_n3A_122, %reduce_sum3A_123 [1] : vector<128x5120xf32> to vector<128xf32>
    %broadcast_in_dim3A_125 = vector.shape_cast %reduce_sum3A_124 : vector<128xf32> to vector<128x1xf32>
    %jit3A_126 = arith.constant 0.000000e+00 : f32
    %broadcast_in_dim3A_127 = vector.shape_cast %get3A_49 : vector<1x5120xf32> to vector<1x5120xf32>
    %broadcast_in_dim3A_128 = vector.broadcast %broadcast_in_dim3A_127 : vector<1x5120xf32> to vector<128x5120xf32>
    %broadcast_in_dim3A_129 = vector.broadcast %jit3A_126 : f32 to vector<128x5120xf32>
    %select_n3A_130 = arith.select %and3A_117, %broadcast_in_dim3A_128, %broadcast_in_dim3A_129 : vector<128x5120xi1>, vector<128x5120xf32>
    %reduce_sum3A_131 = arith.constant dense<0.000000e+00> : vector<128xf32>
    %reduce_sum3A_132 = vector.multi_reduction <add>, %select_n3A_130, %reduce_sum3A_131 [1] : vector<128x5120xf32> to vector<128xf32>
    %broadcast_in_dim3A_133 = vector.shape_cast %reduce_sum3A_132 : vector<128xf32> to vector<128x1xf32>
    %jit3A_134 = arith.constant 0.000000e+00 : f32
    %broadcast_in_dim3A_135 = vector.shape_cast %get3A_52 : vector<1x5120xf32> to vector<1x5120xf32>
    %broadcast_in_dim3A_136 = vector.broadcast %broadcast_in_dim3A_135 : vector<1x5120xf32> to vector<128x5120xf32>
    %broadcast_in_dim3A_137 = vector.broadcast %jit3A_134 : f32 to vector<128x5120xf32>
    %select_n3A_138 = arith.select %and3A_117, %broadcast_in_dim3A_136, %broadcast_in_dim3A_137 : vector<128x5120xi1>, vector<128x5120xf32>
    %reduce_sum3A_139 = arith.constant dense<0.000000e+00> : vector<128xf32>
    %reduce_sum3A_140 = vector.multi_reduction <add>, %select_n3A_138, %reduce_sum3A_139 [1] : vector<128x5120xf32> to vector<128xf32>
    %broadcast_in_dim3A_141 = vector.shape_cast %reduce_sum3A_140 : vector<128xf32> to vector<128x1xf32>
    %jit3A_142 = arith.constant 0.000000e+00 : f32
    %broadcast_in_dim3A_143 = vector.shape_cast %get3A_55 : vector<1x5120xf32> to vector<1x5120xf32>
    %broadcast_in_dim3A_144 = vector.broadcast %broadcast_in_dim3A_143 : vector<1x5120xf32> to vector<128x5120xf32>
    %broadcast_in_dim3A_145 = vector.broadcast %jit3A_142 : f32 to vector<128x5120xf32>
    %select_n3A_146 = arith.select %and3A_117, %broadcast_in_dim3A_144, %broadcast_in_dim3A_145 : vector<128x5120xi1>, vector<128x5120xf32>
    %reduce_sum3A_147 = arith.constant dense<0.000000e+00> : vector<128xf32>
    %reduce_sum3A_148 = vector.multi_reduction <add>, %select_n3A_146, %reduce_sum3A_147 [1] : vector<128x5120xf32> to vector<128xf32>
    %broadcast_in_dim3A_149 = vector.shape_cast %reduce_sum3A_148 : vector<128xf32> to vector<128x1xf32>
    %get3A_150 = arith.constant 0 : index
    %get3A_151 = arith.constant 0 : index
    %get3A_152 = vector.load %arg9[%get3A_150, %get3A_151] : memref<128x1xf32, #tpu.memory_space<vmem>>, vector<128x1xf32>
    %get3A_153 = arith.constant 0 : index
    %get3A_154 = arith.constant 0 : index
    %get3A_155 = vector.load %arg7[%get3A_153, %get3A_154] : memref<128x1xf32, #tpu.memory_space<vmem>>, vector<128x1xf32>
    %sub3A_156 = arith.subf %get3A_152, %get3A_155 : vector<128x1xf32>
    %get3A_157 = arith.constant 0 : index
    %get3A_158 = arith.constant 0 : index
    %get3A_159 = vector.load %arg10[%get3A_157, %get3A_158] : memref<128x1xf32, #tpu.memory_space<vmem>>, vector<128x1xf32>
    %get3A_160 = arith.constant 0 : index
    %get3A_161 = arith.constant 0 : index
    %get3A_162 = vector.load %arg8[%get3A_160, %get3A_161] : memref<128x1xf32, #tpu.memory_space<vmem>>, vector<128x1xf32>
    %sub3A_163 = arith.subf %get3A_159, %get3A_162 : vector<128x1xf32>
    %mul3A_164 = arith.mulf %sub3A_156, %sub3A_163 : vector<128x1xf32>
    %sub3A_165 = arith.subf %broadcast_in_dim3A_141, %broadcast_in_dim3A_125 : vector<128x1xf32>
    %sub3A_166 = arith.subf %broadcast_in_dim3A_149, %broadcast_in_dim3A_133 : vector<128x1xf32>
    %mul3A_167 = arith.mulf %sub3A_165, %sub3A_166 : vector<128x1xf32>
    %get3A_168 = arith.constant 0 : index
    %get3A_169 = arith.constant 0 : index
    %get3A_170 = vector.load %arg7[%get3A_168, %get3A_169] : memref<128x1xf32, #tpu.memory_space<vmem>>, vector<128x1xf32>
    %max3A_171 = arith.maximumf %get3A_170, %broadcast_in_dim3A_125 : vector<128x1xf32>
    %get3A_172 = arith.constant 0 : index
    %get3A_173 = arith.constant 0 : index
    %get3A_174 = vector.load %arg8[%get3A_172, %get3A_173] : memref<128x1xf32, #tpu.memory_space<vmem>>, vector<128x1xf32>
    %max3A_175 = arith.maximumf %get3A_174, %broadcast_in_dim3A_133 : vector<128x1xf32>
    %get3A_176 = arith.constant 0 : index
    %get3A_177 = arith.constant 0 : index
    %get3A_178 = vector.load %arg9[%get3A_176, %get3A_177] : memref<128x1xf32, #tpu.memory_space<vmem>>, vector<128x1xf32>
    %min3A_179 = arith.minimumf %get3A_178, %broadcast_in_dim3A_141 : vector<128x1xf32>
    %get3A_180 = arith.constant 0 : index
    %get3A_181 = arith.constant 0 : index
    %get3A_182 = vector.load %arg10[%get3A_180, %get3A_181] : memref<128x1xf32, #tpu.memory_space<vmem>>, vector<128x1xf32>
    %min3A_183 = arith.minimumf %get3A_182, %broadcast_in_dim3A_149 : vector<128x1xf32>
    %sub3A_184 = arith.subf %min3A_179, %max3A_171 : vector<128x1xf32>
    %jit3A_185 = arith.constant 0.000000e+00 : f32
    %max3A_186 = vector.broadcast %jit3A_185 : f32 to vector<128x1xf32>
    %max3A_187 = arith.maximumf %max3A_186, %sub3A_184 : vector<128x1xf32>
    %sub3A_188 = arith.subf %min3A_183, %max3A_175 : vector<128x1xf32>
    %jit3A_189 = arith.constant 0.000000e+00 : f32
    %max3A_190 = vector.broadcast %jit3A_189 : f32 to vector<128x1xf32>
    %max3A_191 = arith.maximumf %max3A_190, %sub3A_188 : vector<128x1xf32>
    %mul3A_192 = arith.mulf %max3A_187, %max3A_191 : vector<128x1xf32>
    %add3A_193 = arith.addf %mul3A_164, %mul3A_167 : vector<128x1xf32>
    %sub3A_194 = arith.subf %add3A_193, %mul3A_192 : vector<128x1xf32>
    %max3A_195 = arith.constant 9.99999997E-7 : f32
    %max3A_196 = vector.broadcast %max3A_195 : f32 to vector<128x1xf32>
    %max3A_197 = arith.maximumf %sub3A_194, %max3A_196 : vector<128x1xf32>
    %div3A_198 = arith.divf %mul3A_192, %max3A_197 : vector<128x1xf32>
    %reduce_or3A = arith.constant 1.000000e+00 : f32
    %reduce_or3A_199 = arith.constant 0.000000e+00 : f32
    %reduce_or3A_200 = vector.broadcast %reduce_or3A : f32 to vector<128x5120xf32>
    %reduce_or3A_201 = vector.broadcast %reduce_or3A_199 : f32 to vector<128x5120xf32>
    %reduce_or3A_202 = arith.select %eq3A_3, %reduce_or3A_200, %reduce_or3A_201 : vector<128x5120xi1>, vector<128x5120xf32>
    %reduce_or3A_203 = arith.constant dense<0xFF800000> : vector<128xf32>
    %reduce_or3A_204 = vector.multi_reduction <maximumf>, %reduce_or3A_202, %reduce_or3A_203 [1] : vector<128x5120xf32> to vector<128xf32>
    %reduce_or3A_205 = arith.constant 0.000000e+00 : f32
    %reduce_or3A_206 = vector.broadcast %reduce_or3A_205 : f32 to vector<128xf32>
    %reduce_or3A_207 = arith.cmpf ogt, %reduce_or3A_204, %reduce_or3A_206 : vector<128xf32>
    %broadcast_in_dim3A_208 = vector.shape_cast %reduce_or3A_207 : vector<128xi1> to vector<128x1xi1>
    %get3A_209 = arith.constant 0 : index
    %get3A_210 = arith.constant 0 : index
    %get3A_211 = vector.load %arg10[%get3A_209, %get3A_210] : memref<128x1xf32, #tpu.memory_space<vmem>>, vector<128x1xf32>
    %get3A_212 = arith.constant 0 : index
    %get3A_213 = arith.constant 0 : index
    %get3A_214 = vector.load %arg8[%get3A_212, %get3A_213] : memref<128x1xf32, #tpu.memory_space<vmem>>, vector<128x1xf32>
    %sub3A_215 = arith.subf %get3A_211, %get3A_214 : vector<128x1xf32>
    %ge3A = arith.constant 5.000000e+01 : f32
    %ge3A_216 = vector.broadcast %ge3A : f32 to vector<128x1xf32>
    %ge3A_217 = arith.cmpf oge, %sub3A_215, %ge3A_216 : vector<128x1xf32>
    %and3A_218 = arith.andi %broadcast_in_dim3A_208, %ge3A_217 : vector<128x1xi1>
    %convert_element_type3A = arith.extui %and3A_218 : vector<128x1xi1> to vector<128x1xi32>
    %swap3A_219 = arith.constant 0 : index
    %swap3A_220 = arith.constant 0 : index
    %swap3A_221 = vector.load %arg13[%swap3A_219, %swap3A_220] : memref<128x1xi32, #tpu.memory_space<vmem>>, vector<128x1xi32>
    tpu.vector_store %arg13[%swap3A_219, %swap3A_220], %convert_element_type3A {strides = array<i32>} : memref<128x1xi32, #tpu.memory_space<vmem>>, vector<128x1xi32>,
    %sub3A_222 = arith.constant 1.000000e+00 : f32
    %sub3A_223 = vector.broadcast %sub3A_222 : f32 to vector<128x1xf32>
    %sub3A_224 = arith.subf %sub3A_223, %div3A_198 : vector<128x1xf32>
    %jit3A_225 = arith.constant 0.000000e+00 : f32
    %broadcast_in_dim3A_226 = vector.broadcast %jit3A_225 : f32 to vector<128x1xf32>
    %select_n3A_227 = arith.select %broadcast_in_dim3A_208, %sub3A_224, %broadcast_in_dim3A_226 : vector<128x1xi1>, vector<128x1xf32>
    %swap3A_228 = arith.constant 0 : index
    %swap3A_229 = arith.constant 0 : index
    %swap3A_230 = vector.load %arg12[%swap3A_228, %swap3A_229] : memref<128x1xf32, #tpu.memory_space<vmem>>, vector<128x1xf32>
    tpu.vector_store %arg12[%swap3A_228, %swap3A_229], %select_n3A_227 {strides = array<i32>} : memref<128x1xf32, #tpu.memory_space<vmem>>, vector<128x1xf32>,
    return
  }
}

module attributes {stable_mosaic.version = 14 : i64} {
  func.func @_scan_body(%arg0: memref<1x5120xi32, #tpu.memory_space<smem>>, %arg1: memref<1x5120xf32, #tpu.memory_space<smem>>, %arg2: memref<128x1xi32, #tpu.memory_space<smem>>, %arg3: memref<128x1xf32, #tpu.memory_space<smem>>, %arg4: memref<5120x320xi32, #tpu.memory_space<vmem>>, %arg5: memref<1x2xf32, #tpu.memory_space<smem>>, %arg6: memref<1x320xi32, #tpu.memory_space<vmem>>, %arg7: memref<1x320xi32, #tpu.memory_space<vmem>>, %arg8: memref<1x128xi32, #tpu.memory_space<smem>>) attributes {dimension_semantics = [], scalar_prefetch = 0 : i64, scratch_operands = 3 : i64, tpu.core_type = #tpu.core_type<tc>} {
    %scan3A = arith.constant 0 : i32
    %scan3A_0 = arith.constant 128 : i32
    %scan3A_1 = arith.addi %scan3A, %scan3A_0 : i32
    %scan3A_2 = arith.constant 1 : i32
    scf.for %scan3A_113 = %scan3A to %scan3A_1 step %scan3A_2  : i32 {
      %swap3A_114 = arith.constant 0 : i32
      %swap3A_115 = arith.constant 0 : index
      %swap3A_116 = arith.index_cast %scan3A_113 : i32 to index
      %swap3A_117 = memref.load %arg8[%swap3A_115, %swap3A_116] : memref<1x128xi32, #tpu.memory_space<smem>>
      memref.store %swap3A_114, %arg8[%swap3A_115, %swap3A_116] : memref<1x128xi32, #tpu.memory_space<smem>>
    }
    %scan3A_3 = arith.constant 128 : i32
    %iota3A = tpu.iota {dimensions = array<i32: 1>} : vector<1x320xi32>
    %mul3A = arith.constant 16 : i32
    %mul3A_4 = vector.broadcast %mul3A : i32 to vector<1x320xi32>
    %mul3A_5 = arith.muli %iota3A, %mul3A_4 : vector<1x320xi32>
    %sub3A = arith.constant 5000 : i32
    %sub3A_6 = vector.broadcast %sub3A : i32 to vector<1x320xi32>
    %sub3A_7 = arith.subi %sub3A_6, %mul3A_5 : vector<1x320xi32>
    %jit3A = arith.constant 0 : i32
    %jit3A_8 = arith.constant 16 : i32
    %max3A = vector.broadcast %jit3A : i32 to vector<1x320xi32>
    %max3A_9 = arith.maxsi %max3A, %sub3A_7 : vector<1x320xi32>
    %min3A = vector.broadcast %jit3A_8 : i32 to vector<1x320xi32>
    %min3A_10 = arith.minsi %min3A, %max3A_9 : vector<1x320xi32>
    %shift_left3A = arith.constant 1 : i32
    %shift_left3A_11 = vector.broadcast %shift_left3A : i32 to vector<1x320xi32>
    %shift_left3A_12 = arith.shli %shift_left3A_11, %min3A_10 : vector<1x320xi32>
    %sub3A_13 = arith.constant 1 : i32
    %sub3A_14 = vector.broadcast %sub3A_13 : i32 to vector<1x320xi32>
    %sub3A_15 = arith.subi %shift_left3A_12, %sub3A_14 : vector<1x320xi32>
    %not3A = arith.constant dense<-1> : vector<1x320xi32>
    %not3A_16 = arith.xori %sub3A_15, %not3A : vector<1x320xi32>
    %and3A = arith.constant 65535 : i32
    %and3A_17 = vector.broadcast %and3A : i32 to vector<1x320xi32>
    %and3A_18 = arith.andi %not3A_16, %and3A_17 : vector<1x320xi32>
    %swap3A = arith.constant 0 : index
    %swap3A_19 = arith.constant 0 : index
    %swap3A_20 = vector.load %arg6[%swap3A, %swap3A_19] : memref<1x320xi32, #tpu.memory_space<vmem>>, vector<1x320xi32>
    tpu.vector_store %arg6[%swap3A, %swap3A_19], %and3A_18 {strides = array<i32>} : memref<1x320xi32, #tpu.memory_space<vmem>>, vector<1x320xi32>,
    %broadcast_in_dim3A = arith.constant 0 : i32
    %broadcast_in_dim3A_21 = vector.broadcast %broadcast_in_dim3A : i32 to vector<1x320xi32>
    %swap3A_22 = arith.constant 0 : index
    %swap3A_23 = arith.constant 0 : index
    %swap3A_24 = vector.load %arg7[%swap3A_22, %swap3A_23] : memref<1x320xi32, #tpu.memory_space<vmem>>, vector<1x320xi32>
    tpu.vector_store %arg7[%swap3A_22, %swap3A_23], %broadcast_in_dim3A_21 {strides = array<i32>} : memref<1x320xi32, #tpu.memory_space<vmem>>, vector<1x320xi32>,
    %get3A = arith.constant 0 : index
    %get3A_25 = arith.constant 0 : index
    %get3A_26 = vector.load %arg6[%get3A, %get3A_25] : memref<1x320xi32, #tpu.memory_space<vmem>>, vector<1x320xi32>
    %eq3A = arith.constant 0 : i32
    %eq3A_27 = vector.broadcast %eq3A : i32 to vector<1x320xi32>
    %eq3A_28 = arith.cmpi eq, %iota3A, %eq3A_27 : vector<1x320xi32>
    %convert_element_type3A = arith.extui %eq3A_28 : vector<1x320xi1> to vector<1x320xi32>
    %mul3A_29 = arith.muli %get3A_26, %convert_element_type3A : vector<1x320xi32>
    %reduce_sum3A = vector.shape_cast %mul3A_29 : vector<1x320xi32> to vector<1x1x320xi32>
    %reduce_sum3A_30 = arith.constant dense<0> : vector<1xi32>
    %reduce_sum3A_31 = vector.multi_reduction <add>, %reduce_sum3A, %reduce_sum3A_30 [1, 2] : vector<1x1x320xi32> to vector<1xi32>
    %reduce_sum3A_32 = vector.shape_cast %reduce_sum3A_31 : vector<1xi32> to vector<1x1x1xi32>
    %reduce_sum3A_33 = vector.extract %reduce_sum3A_32[0, 0, 0] : i32 from vector<1x1x1xi32>
    %while3A = arith.constant 0 : i32
    %while3A_34 = arith.constant 0 : i32
    %while3A_35 = arith.constant 0.000000e+00 : f32
    %while3A_36 = arith.constant 0 : i32
    %while3A_37 = arith.constant 0.000000e+00 : f32
    %while3A_38 = arith.constant 0 : i32
    %while3A_39:7 = scf.while (%while3A_113 = %while3A, %while3A_114 = %reduce_sum3A_33, %while3A_115 = %while3A_34, %while3A_116 = %while3A_35, %while3A_117 = %while3A_36, %while3A_118 = %while3A_37, %while3A_119 = %while3A_38) : (i32, i32, i32, f32, i32, f32, i32) -> (i32, i32, i32, f32, i32, f32, i32) {
      %lt3A = arith.constant 313 : i32
      %lt3A_120 = arith.cmpi slt, %while3A_113, %lt3A : i32
      scf.condition(%lt3A_120) %while3A_113, %while3A_114, %while3A_115, %while3A_116, %while3A_117, %while3A_118, %while3A_119 : i32, i32, i32, f32, i32, f32, i32
    } do {
    ^bb0(%while3A_113: i32, %while3A_114: i32, %while3A_115: i32, %while3A_116: f32, %while3A_117: i32, %while3A_118: f32, %while3A_119: i32):
      %not3A_120 = arith.constant -1 : i32
      %not3A_121 = arith.xori %while3A_114, %not3A_120 : i32
      %and3A_122 = arith.constant 65535 : i32
      %and3A_123 = arith.andi %not3A_121, %and3A_122 : i32
      %eq3A_124 = arith.constant 0 : i32
      %eq3A_125 = arith.cmpi eq, %and3A_123, %eq3A_124 : i32
      %convert_element_type3A_126 = arith.extui %eq3A_125 : i1 to i32
      %cond3A = arith.constant 0 : i32
      %cond3A_127 = arith.cmpi ne, %convert_element_type3A_126, %cond3A : i32
      %cond3A_128:7 = scf.if %cond3A_127 -> (i32, i32, i32, f32, i32, f32, i32) {
        %add3A_129 = arith.constant 1 : i32
        %add3A_130 = arith.addi %while3A_113, %add3A_129 : i32
        %get3A_131 = arith.constant 0 : index
        %get3A_132 = arith.constant 0 : index
        %get3A_133 = vector.load %arg6[%get3A_131, %get3A_132] : memref<1x320xi32, #tpu.memory_space<vmem>>, vector<1x320xi32>
        %add3A_134 = arith.constant 1 : i32
        %add3A_135 = arith.addi %while3A_113, %add3A_134 : i32
        %eq3A_136 = vector.broadcast %add3A_135 : i32 to vector<1x320xi32>
        %eq3A_137 = arith.cmpi eq, %iota3A, %eq3A_136 : vector<1x320xi32>
        %convert_element_type3A_138 = arith.extui %eq3A_137 : vector<1x320xi1> to vector<1x320xi32>
        %mul3A_139 = arith.muli %get3A_133, %convert_element_type3A_138 : vector<1x320xi32>
        %reduce_sum3A_140 = vector.shape_cast %mul3A_139 : vector<1x320xi32> to vector<1x1x320xi32>
        %reduce_sum3A_141 = arith.constant dense<0> : vector<1xi32>
        %reduce_sum3A_142 = vector.multi_reduction <add>, %reduce_sum3A_140, %reduce_sum3A_141 [1, 2] : vector<1x1x320xi32> to vector<1xi32>
        %reduce_sum3A_143 = vector.shape_cast %reduce_sum3A_142 : vector<1xi32> to vector<1x1x1xi32>
        %reduce_sum3A_144 = vector.extract %reduce_sum3A_143[0, 0, 0] : i32 from vector<1x1x1xi32>
        scf.yield %add3A_130, %reduce_sum3A_144, %while3A_115, %while3A_116, %while3A_117, %while3A_118, %while3A_119 : i32, i32, i32, f32, i32, f32, i32
      } else {
        %neg3A = arith.constant 0 : i32
        %neg3A_129 = arith.subi %neg3A, %and3A_123 : i32
        %and3A_130 = arith.andi %and3A_123, %neg3A_129 : i32
        %convert_element_type3A_131 = arith.sitofp %and3A_130 : i32 to f32
        %bitcast_convert_type3A = arith.bitcast %convert_element_type3A_131 : f32 to i32
        %shift_right_arithmetic3A = arith.constant 23 : i32
        %shift_right_arithmetic3A_132 = arith.shrsi %bitcast_convert_type3A, %shift_right_arithmetic3A : i32
        %sub3A_133 = arith.constant 127 : i32
        %sub3A_134 = arith.subi %shift_right_arithmetic3A_132, %sub3A_133 : i32
        %mul3A_135 = arith.constant 16 : i32
        %mul3A_136 = arith.muli %while3A_113, %mul3A_135 : i32
        %add3A_137 = arith.addi %mul3A_136, %sub3A_134 : i32
        %get3A_138 = arith.constant 0 : index
        %get3A_139 = arith.index_cast %add3A_137 : i32 to index
        %get3A_140 = memref.load %arg0[%get3A_138, %get3A_139] : memref<1x5120xi32, #tpu.memory_space<smem>>
        %get3A_141 = arith.constant 0 : index
        %get3A_142 = arith.index_cast %get3A_140 : i32 to index
        %get3A_143 = memref.load %arg8[%get3A_141, %get3A_142] : memref<1x128xi32, #tpu.memory_space<smem>>
        %swap3A_144 = arith.constant 1 : i32
        %swap3A_145 = arith.constant 0 : index
        %swap3A_146 = arith.index_cast %get3A_140 : i32 to index
        %swap3A_147 = memref.load %arg8[%swap3A_145, %swap3A_146] : memref<1x128xi32, #tpu.memory_space<smem>>
        memref.store %swap3A_144, %arg8[%swap3A_145, %swap3A_146] : memref<1x128xi32, #tpu.memory_space<smem>>
        %get3A_148 = arith.constant 0 : index
        %get3A_149 = arith.constant 0 : index
        %get3A_150 = vector.load %arg6[%get3A_148, %get3A_149] : memref<1x320xi32, #tpu.memory_space<vmem>>, vector<1x320xi32>
        %get3A_151 = arith.index_cast %add3A_137 : i32 to index
        %get3A_152 = arith.constant 0 : index
        %get3A_153 = vector.load %arg4[%get3A_151, %get3A_152] : memref<5120x320xi32, #tpu.memory_space<vmem>>, vector<1x320xi32>
        %swap3A_154 = arith.constant 0 : index
        %swap3A_155 = arith.constant 0 : index
        %swap3A_156 = vector.load %arg7[%swap3A_154, %swap3A_155] : memref<1x320xi32, #tpu.memory_space<vmem>>, vector<1x320xi32>
        tpu.vector_store %arg7[%swap3A_154, %swap3A_155], %get3A_150 {strides = array<i32>} : memref<1x320xi32, #tpu.memory_space<vmem>>, vector<1x320xi32>,
        %or3A = arith.ori %get3A_150, %get3A_153 : vector<1x320xi32>
        %swap3A_157 = arith.constant 0 : index
        %swap3A_158 = arith.constant 0 : index
        %swap3A_159 = vector.load %arg6[%swap3A_157, %swap3A_158] : memref<1x320xi32, #tpu.memory_space<vmem>>, vector<1x320xi32>
        tpu.vector_store %arg6[%swap3A_157, %swap3A_158], %or3A {strides = array<i32>} : memref<1x320xi32, #tpu.memory_space<vmem>>, vector<1x320xi32>,
        %eq3A_160 = vector.broadcast %while3A_113 : i32 to vector<1x320xi32>
        %eq3A_161 = arith.cmpi eq, %iota3A, %eq3A_160 : vector<1x320xi32>
        %convert_element_type3A_162 = arith.extui %eq3A_161 : vector<1x320xi1> to vector<1x320xi32>
        %mul3A_163 = arith.muli %or3A, %convert_element_type3A_162 : vector<1x320xi32>
        %reduce_sum3A_164 = vector.shape_cast %mul3A_163 : vector<1x320xi32> to vector<1x1x320xi32>
        %reduce_sum3A_165 = arith.constant dense<0> : vector<1xi32>
        %reduce_sum3A_166 = vector.multi_reduction <add>, %reduce_sum3A_164, %reduce_sum3A_165 [1, 2] : vector<1x1x320xi32> to vector<1xi32>
        %reduce_sum3A_167 = vector.shape_cast %reduce_sum3A_166 : vector<1xi32> to vector<1x1x1xi32>
        %reduce_sum3A_168 = vector.extract %reduce_sum3A_167[0, 0, 0] : i32 from vector<1x1x1xi32>
        %or3A_169 = arith.ori %reduce_sum3A_168, %while3A_114 : i32
        %or3A_170 = arith.ori %or3A_169, %and3A_130 : i32
        %get3A_171 = arith.constant 0 : index
        %get3A_172 = arith.index_cast %add3A_137 : i32 to index
        %get3A_173 = memref.load %arg1[%get3A_171, %get3A_172] : memref<1x5120xf32, #tpu.memory_space<smem>>
        %gt3A_174 = arith.constant 0 : i32
        %gt3A_175 = arith.cmpi sgt, %get3A_143, %gt3A_174 : i32
        %convert_element_type3A_176 = arith.extui %gt3A_175 : i1 to i32
        %add3A_177 = arith.addi %while3A_115, %convert_element_type3A_176 : i32
        %gt3A_178 = arith.constant 0 : i32
        %gt3A_179 = arith.cmpi sgt, %convert_element_type3A_176, %gt3A_178 : i32
        %jit3A_180 = arith.constant 0.000000e+00 : f32
        %select_n3A_181 = arith.select %gt3A_179, %get3A_173, %jit3A_180 : f32
        %add3A_182 = arith.addf %while3A_116, %select_n3A_181 : f32
        scf.yield %while3A_113, %or3A_170, %add3A_177, %add3A_182, %convert_element_type3A_176, %get3A_173, %add3A_137 : i32, i32, i32, f32, i32, f32, i32
      }
      scf.yield %cond3A_128#0, %cond3A_128#1, %cond3A_128#2, %cond3A_128#3, %cond3A_128#4, %cond3A_128#5, %cond3A_128#6 : i32, i32, i32, f32, i32, f32, i32
    }
    %get3A_40 = arith.constant 0 : index
    %get3A_41 = arith.constant 0 : index
    %get3A_42 = vector.load %arg7[%get3A_40, %get3A_41] : memref<1x320xi32, #tpu.memory_space<vmem>>, vector<1x320xi32>
    %mul3A_43 = arith.constant 16 : i32
    %mul3A_44 = vector.broadcast %mul3A_43 : i32 to vector<1x320xi32>
    %mul3A_45 = arith.muli %iota3A, %mul3A_44 : vector<1x320xi32>
    %add3A = arith.constant 1 : i32
    %add3A_46 = arith.addi %while3A_39#6, %add3A : i32
    %sub3A_47 = vector.broadcast %add3A_46 : i32 to vector<1x320xi32>
    %sub3A_48 = arith.subi %sub3A_47, %mul3A_45 : vector<1x320xi32>
    %jit3A_49 = arith.constant 0 : i32
    %jit3A_50 = arith.constant 16 : i32
    %max3A_51 = vector.broadcast %jit3A_49 : i32 to vector<1x320xi32>
    %max3A_52 = arith.maxsi %max3A_51, %sub3A_48 : vector<1x320xi32>
    %min3A_53 = vector.broadcast %jit3A_50 : i32 to vector<1x320xi32>
    %min3A_54 = arith.minsi %min3A_53, %max3A_52 : vector<1x320xi32>
    %shift_left3A_55 = arith.constant 65535 : i32
    %shift_left3A_56 = vector.broadcast %shift_left3A_55 : i32 to vector<1x320xi32>
    %shift_left3A_57 = arith.shli %shift_left3A_56, %min3A_54 : vector<1x320xi32>
    %and3A_58 = arith.constant 65535 : i32
    %and3A_59 = vector.broadcast %and3A_58 : i32 to vector<1x320xi32>
    %and3A_60 = arith.andi %shift_left3A_57, %and3A_59 : vector<1x320xi32>
    %sub3A_61 = arith.constant 5000 : i32
    %sub3A_62 = vector.broadcast %sub3A_61 : i32 to vector<1x320xi32>
    %sub3A_63 = arith.subi %sub3A_62, %mul3A_45 : vector<1x320xi32>
    %jit3A_64 = arith.constant 0 : i32
    %jit3A_65 = arith.constant 16 : i32
    %max3A_66 = vector.broadcast %jit3A_64 : i32 to vector<1x320xi32>
    %max3A_67 = arith.maxsi %max3A_66, %sub3A_63 : vector<1x320xi32>
    %min3A_68 = vector.broadcast %jit3A_65 : i32 to vector<1x320xi32>
    %min3A_69 = arith.minsi %min3A_68, %max3A_67 : vector<1x320xi32>
    %shift_left3A_70 = arith.constant 1 : i32
    %shift_left3A_71 = vector.broadcast %shift_left3A_70 : i32 to vector<1x320xi32>
    %shift_left3A_72 = arith.shli %shift_left3A_71, %min3A_69 : vector<1x320xi32>
    %sub3A_73 = arith.constant 1 : i32
    %sub3A_74 = vector.broadcast %sub3A_73 : i32 to vector<1x320xi32>
    %sub3A_75 = arith.subi %shift_left3A_72, %sub3A_74 : vector<1x320xi32>
    %not3A_76 = arith.constant dense<-1> : vector<1x320xi32>
    %not3A_77 = arith.xori %get3A_42, %not3A_76 : vector<1x320xi32>
    %and3A_78 = arith.andi %and3A_60, %sub3A_75 : vector<1x320xi32>
    %and3A_79 = arith.andi %not3A_77, %and3A_78 : vector<1x320xi32>
    %reduce_max3A = vector.shape_cast %and3A_79 : vector<1x320xi32> to vector<1x1x320xi32>
    %reduce_max3A_80 = arith.constant dense<-2147483648> : vector<1xi32>
    %reduce_max3A_81 = vector.multi_reduction <maxsi>, %reduce_max3A, %reduce_max3A_80 [1, 2] : vector<1x1x320xi32> to vector<1xi32>
    %reduce_max3A_82 = vector.shape_cast %reduce_max3A_81 : vector<1xi32> to vector<1x1x1xi32>
    %reduce_max3A_83 = vector.extract %reduce_max3A_82[0, 0, 0] : i32 from vector<1x1x1xi32>
    %gt3A = arith.constant 0 : i32
    %gt3A_84 = arith.cmpi sgt, %reduce_max3A_83, %gt3A : i32
    %gt3A_85 = arith.constant 0 : i32
    %gt3A_86 = arith.cmpi sgt, %while3A_39#4, %gt3A_85 : i32
    %not3A_87 = arith.constant true
    %not3A_88 = arith.xori %gt3A_84, %not3A_87 : i1
    %and3A_89 = arith.andi %gt3A_86, %not3A_88 : i1
    %jit3A_90 = arith.constant 0.000000e+00 : f32
    %select_n3A = arith.select %and3A_89, %while3A_39#5, %jit3A_90 : f32
    %sub3A_91 = arith.subf %while3A_39#3, %select_n3A : f32
    %convert_element_type3A_92 = arith.sitofp %while3A_39#2 : i32 to f32
    %add3A_93 = arith.constant 9.99999997E-7 : f32
    %add3A_94 = arith.addf %convert_element_type3A_92, %add3A_93 : f32
    %div3A = arith.divf %sub3A_91, %add3A_94 : f32
    %scan3A_95 = arith.constant 0.000000e+00 : f32
    %scan3A_96 = arith.constant 0 : i32
    %scan3A_97 = arith.constant 0 : i32
    %scan3A_98 = arith.constant 128 : i32
    %scan3A_99 = arith.addi %scan3A_97, %scan3A_98 : i32
    %scan3A_100 = arith.constant 1 : i32
    %scan3A_101:2 = scf.for %scan3A_113 = %scan3A_97 to %scan3A_99 step %scan3A_100 iter_args(%scan3A_114 = %scan3A_95, %scan3A_115 = %scan3A_96) -> (f32, i32)  : i32 {
      %get3A_116 = arith.index_cast %scan3A_113 : i32 to index
      %get3A_117 = arith.constant 0 : index
      %get3A_118 = memref.load %arg2[%get3A_116, %get3A_117] : memref<128x1xi32, #tpu.memory_space<smem>>
      %gt3A_119 = arith.constant 0 : i32
      %gt3A_120 = arith.cmpi sgt, %get3A_118, %gt3A_119 : i32
      %get3A_121 = arith.constant 0 : index
      %get3A_122 = arith.index_cast %scan3A_113 : i32 to index
      %get3A_123 = memref.load %arg8[%get3A_121, %get3A_122] : memref<1x128xi32, #tpu.memory_space<smem>>
      %eq3A_124 = arith.constant 0 : i32
      %eq3A_125 = arith.cmpi eq, %get3A_123, %eq3A_124 : i32
      %and3A_126 = arith.andi %gt3A_120, %eq3A_125 : i1
      %get3A_127 = arith.index_cast %scan3A_113 : i32 to index
      %get3A_128 = arith.constant 0 : index
      %get3A_129 = memref.load %arg3[%get3A_127, %get3A_128] : memref<128x1xf32, #tpu.memory_space<smem>>
      %jit3A_130 = arith.constant 0.000000e+00 : f32
      %select_n3A_131 = arith.select %and3A_126, %get3A_129, %jit3A_130 : f32
      %add3A_132 = arith.addf %scan3A_114, %select_n3A_131 : f32
      %jit3A_133 = arith.constant 1 : i32
      %jit3A_134 = arith.constant 0 : i32
      %select_n3A_135 = arith.select %and3A_126, %jit3A_133, %jit3A_134 : i32
      %add3A_136 = arith.addi %scan3A_115, %select_n3A_135 : i32
      scf.yield %add3A_132, %add3A_136 : f32, i32
    }
    %scan3A_102 = arith.constant 128 : i32
    %convert_element_type3A_103 = arith.sitofp %scan3A_101#1 : i32 to f32
    %add3A_104 = arith.constant 9.99999997E-7 : f32
    %add3A_105 = arith.addf %convert_element_type3A_103, %add3A_104 : f32
    %div3A_106 = arith.divf %scan3A_101#0, %add3A_105 : f32
    %swap3A_107 = arith.constant 0 : index
    %swap3A_108 = arith.constant 0 : index
    %swap3A_109 = memref.load %arg5[%swap3A_107, %swap3A_108] : memref<1x2xf32, #tpu.memory_space<smem>>
    memref.store %div3A_106, %arg5[%swap3A_107, %swap3A_108] : memref<1x2xf32, #tpu.memory_space<smem>>
    %swap3A_110 = arith.constant 0 : index
    %swap3A_111 = arith.constant 1 : index
    %swap3A_112 = memref.load %arg5[%swap3A_110, %swap3A_111] : memref<1x2xf32, #tpu.memory_space<smem>>
    memref.store %div3A, %arg5[%swap3A_110, %swap3A_111] : memref<1x2xf32, #tpu.memory_space<smem>>
    return
  }
}

</mosaic_0001>

<sc_bundles>
// kernel: kernel.6.cloned.1.call-start
scs
__scs_entry_jumppad:
0x0: {  	(pc) =	sbr.rel $0x88, $3  }
0x1: {  	(tag) =	ssettag $0x0;
	lr =	simm.s32 $0x1  }
0x2: {  	[smem:$0x3F9E] =	sst lr;
	_ =	strace $0xD0000000  }
0x3: {  	_ = 	snop  }
0x4: {  	_ = 	snop  }
0x5: {  	_ = 	snop  }
0x6: {  	_ = 	snop  }
0x7: {  	_ = 	snop  }
__scs_overlays_trampoline_lowered:
0x8: {  	[smem:$0x3FAD] =	sst s0  }
0x9: {  	[smem:$0x3FAE] =	sst s1  }
0xa: {  	[smem:$0x3FAF] =	sst s2  }
0xb: {  	[smem:$0x3FB0] =	sst s3  }
0xc: {  	[smem:$0x3FB1] =	sst s4  }
0xd: {  	[smem:$0x3FB2] =	sst s5  }
0xe: {  	[smem:$0x3FB3] =	sst s6  }
0xf: {  	[smem:$0x3FB4] =	sst s7  }
0x10: {  	[smem:$0x3FB5] =	sst s8  }
0x11: {  	[smem:$0x3FB6] =	sst s9;
	s0 =	simm.s32 @!p0 $0x0  }
0x12: {  	s1 =	sld [smem:$0x3F9C];
	s0 =	simm.s32 @p0 $0x1  }
0x13: {  	[smem:$0x3FB7] =	sst s0;
	s0 =	simm.s32 @!p1 $0x0  }
0x14: {  	s2 =	sld [smem:$0x3F9B];
	s0 =	simm.s32 @p1 $0x1  }
0x15: {  	[smem:$0x3FB8] =	sst s0;
	s0 =	simm.s32 @!p2 $0x0  }
0x16: {  	s3 =	sld [smem:$0x3FDB];
	s0 =	simm.s32 @p2 $0x1  }
0x17: {  	s4 =	simm.s32 $0x1BF5;
	[smem:$0x3FBA] =	sst s0  }
0x18: {  	s0 =	sld [smem:$0x3F9D];
	_ =	swait.ge [sflag:s4], $0x0  }
0x19: {  	s7 =	sld [smem:$0x3F9E]  }
0x1a: {  	s8 =	sadd.s32 $0xFFFFE003, lr  }
0x1b: {  	s9 =	sadd.s32 $0xFFFFFEF7, lr;
	s5 =	simm.s32 $0xFFFFFFFF;
	p2 =	slt.u32 s8, $0xFFFFF086  }
0x1c: {  	p1 =	slt.u32 s9, $0xF7A;
	s5 =	simm.s32 @!p2 $0x0  }
0x1d: {  	s5 =	simm.s32 @p1 $0x1;
	p0 =	seq.s32 s7, s2  }
0x1e: {  	s7 =	smul.u32 @!p0 $0xF7A, s2;
	p2 =	seq.s32 @!p0 s5, $0x0  }
0x1f: {  	s9 =	smul.u32 $0xF7A, s1;
	s8 =	simm.s32 @!p0 $0x1BF5;
	p2 =	por !p2, p0  }
0x20: {  	[sflag:s8] =	ssyncset.s32 @!p0 $0xFFFFF086;
	s6 =	sadd.s32 @!p0 s3, s7;
	s7 =	simm.s32 @!p0 $0x108  }
0x21: {  	s3 =	sadd.s32 s3, s9;
	s6 =	sadd.s32 @!p0 $0x88, s6;
	s7 =	simm.s32 @p2 $0x1082  }
0x22: {  	[simem:s7], [sflag:s8] =	dma.local @!p0 [hbm:s6], $0xF7A  }
0x23: {  	s9 =	sor.u32 $0xD0000000, s2;
	s6 =	simm.s32 $0x108;
	_ =	swait.ge @!p0 [sflag:s8], $0x0  }
0x24: {  	s3 =	sadd.s32 $0x88, s3;
	s6 =	simm.s32 @!p1 $0x1082;
	[sflag:s4] =	ssyncset.s32 $0xFFFFF086  }
0x25: {  	[simem:s6], [sflag:s4] =	dma.local [hbm:s3], $0xF7A  }
0x26: {  	[smem:$0x3F9E] =	sst s1;
	(tag) =	ssettag s2;
	_ =	strace s9  }
0x27: {  	s1 =	sld [smem:$0x3FAE]  }
0x28: {  	s2 =	sld [smem:$0x3FAF]  }
0x29: {  	s4 =	sld [smem:$0x3FB1]  }
0x2a: {  	p0 =	seq.s32 s5, $0x0;
	s5 =	sld [smem:$0x3FB2]  }
0x2b: {  	s6 =	sld [smem:$0x3FB3]  }
0x2c: {  	s7 =	sld [smem:$0x3FB4]  }
0x2d: {  	s3 =	simm.s32 $0x108;
	s8 =	sld [smem:$0x3FB5]  }
0x2e: {  	s3 =	simm.s32 @!p0 $0x1082;
	s9 =	sld [smem:$0x3FB6]  }
0x2f: {  	lr =	sadd.s32 s0, s3;
	s0 =	sld [smem:$0x3FAD]  }
0x30: {  	s3 =	sld [smem:$0x3FB0]  }
0x31: {  	[smem:$0x3FB9] =	sst s10  }
0x32: {  	s10 =	sld [smem:$0x3FB7];
	_ =	sdelay $0x3  }
0x33: {  	p0 =	seq.s32 s10, $0x1;
	s10 =	sld [smem:$0x3FB9];
	_ =	sdelay $0x3  }
0x34: {  	[smem:$0x3FB9] =	sst s10  }
0x35: {  	s10 =	sld [smem:$0x3FB8];
	_ =	sdelay $0x3  }
0x36: {  	p1 =	seq.s32 s10, $0x1;
	s10 =	sld [smem:$0x3FB9];
	_ =	sdelay $0x3  }
0x37: {  	[smem:$0x3FB9] =	sst s10  }
0x38: {  	s10 =	sld [smem:$0x3FBA]  }
0x39: {  	_ = 	snop;
	(pc) =	sbr.ind lr, $3  }
0x3a: {  	_ = 	snop  }
0x3b: {  	_ = 	snop  }
0x3c: {  	p2 =	seq.s32 s10, $0x1;
	s10 =	sld [smem:$0x3FB9]  }
0x3d: {  	_ =	shalt  }
0x3e: {  	_ =	shalt  }
0x3f: {  	_ =	shalt  }
0x40: {  	_ =	shalt  }
0x41: {  	_ =	shalt  }
0x42: {  	_ =	shalt  }
0x43: {  	_ =	shalt  }
0x44: {  	_ =	shalt  }
0x45: {  	_ =	shalt  }
0x46: {  	_ =	shalt  }
0x47: {  	_ =	shalt  }
0x48: {  	_ =	shalt  }
0x49: {  	_ =	shalt  }
0x4a: {  	_ =	shalt  }
0x4b: {  	_ =	shalt  }
0x4c: {  	_ =	shalt  }
0x4d: {  	_ =	shalt  }
0x4e: {  	_ =	shalt  }
0x4f: {  	_ =	shalt  }
0x50: {  	_ =	shalt  }
0x51: {  	_ =	shalt  }
0x52: {  	_ =	shalt  }
0x53: {  	_ =	shalt  }
0x54: {  	_ =	shalt  }
0x55: {  	_ =	shalt  }
0x56: {  	_ =	shalt  }
0x57: {  	_ =	shalt  }
0x58: {  	_ =	shalt  }
0x59: {  	_ =	shalt  }
0x5a: {  	_ =	shalt  }
0x5b: {  	_ =	shalt  }
0x5c: {  	_ =	shalt  }
0x5d: {  	_ =	shalt  }
0x5e: {  	_ =	shalt  }
0x5f: {  	_ =	shalt  }
0x60: {  	_ =	shalt  }
0x61: {  	_ =	shalt  }
0x62: {  	_ =	shalt  }
0x63: {  	_ =	shalt  }
0x64: {  	_ =	shalt  }
0x65: {  	_ =	shalt  }
0x66: {  	_ =	shalt  }
0x67: {  	_ =	shalt  }
0x68: {  	_ =	shalt  }
0x69: {  	_ =	shalt  }
0x6a: {  	_ =	shalt  }
0x6b: {  	_ =	shalt  }
0x6c: {  	_ =	shalt  }
0x6d: {  	_ =	shalt  }
0x6e: {  	_ =	shalt  }
0x6f: {  	_ =	shalt  }
0x70: {  	_ =	shalt  }
0x71: {  	_ =	shalt  }
0x72: {  	_ =	shalt  }
0x73: {  	_ =	shalt  }
0x74: {  	_ =	shalt  }
0x75: {  	_ =	shalt  }
0x76: {  	_ =	shalt  }
0x77: {  	_ =	shalt  }
0x78: {  	_ =	shalt  }
0x79: {  	_ =	shalt  }
0x7a: {  	_ =	shalt  }
0x7b: {  	_ =	shalt  }
0x7c: {  	_ =	shalt  }
0x7d: {  	_ =	shalt  }
0x7e: {  	_ =	shalt  }
0x7f: {  	_ =	shalt  }
0x80: {  	_ =	shalt  }
0x81: {  	_ =	shalt  }
0x82: {  	_ =	shalt  }
0x83: {  	_ =	shalt  }
0x84: {  	_ =	shalt  }
0x85: {  	_ =	shalt  }
0x86: {  	_ =	shalt  }
0x87: {  	_ =	shalt  }
.Lfunc_end0:
.L_simem_size_0:
called_computation_lowered:
.L_overlay_start_0:
0x88: {  	s2 =	sld [smem:$0x3FD9]  }
0x89: {  	s3 =	sld [smem:$0x3FFE];
	_ =	sdelay $0x1  }
0x8a: {  	s1 =	srdreg.scid  }
0x8b: {  	s0 =	sand.u32 $0x1, s1  }
0x8c: {  	s16 =	sshll.u32 s0, $0xA;
	s2 =	sadd.s32 s3, s2  }
0x8d: {  	s2 =	sadd.s32 s2, s16  }
0x8e: {  	[smem:$0x3FC5] =	sst s2  }
0x8f: {  	_ = 	snop  }
0x90: {  	(tm) =	ssettm $0x1  }
0x91: {  	s17 =	sld [smem:$0x3FFB];
	_ =	sdelay $0x3  }
0x92: {  	_ =	strace s17  }
0x93: {  	s2 =	sld [smem:$0x3FFC];
	_ =	sdelay $0x3  }
0x94: {  	_ =	strace s2  }
0x95: {  	s2 =	sld [smem:$0x3FFD];
	_ =	sdelay $0x3  }
0x96: {  	_ =	strace s2  }
0x97: {  	_ =	strace $0x8FFFFFFF  }
0x98: {  	s18 =	sld [smem:$0x3FDB];
	_ =	sdelay $0x1  }
0x99: {  	s19 =	simm.s32 $_scs_section_size  }
0x9a: {  	s4 =	simm.s32 $_size__tile_overlayer_lowered;
	s5 =	simm.s32 $_tile_overlayer_lowered  }
0x9b: {  	s22 =	simm.s32 $0x1BFF;
	s21 =	sshll.u32 s5, $0x1;
	s2 =	sadd.s32 s19, s18  }
0x9c: {  	s6 =	simm.s32 $0x0;
	s20 =	sshll.u32 s4, $0x1;
	s4 =	sadd.s32 s21, s2  }
0x9d: {  	[timem:s6], [sflag:s22] =	dma.local [hbm:s4], s20  }
0x9e: {  	_ =	swait.ge [sflag:s22], s20  }
0x9f: {  	s3 =	ssub.s32 $0x0, s20;
	[sflag:s22] =	ssyncset.done $0x0  }
0xa0: {  	[sflag:s22] =	ssyncadd.s32 s3;
	_ =	sdelay $0x1  }
0xa1: {  	s23 =	simm.s32 $0x1B8B  }
0xa2: {  	_ =	swait.ge [sflag:s23], $0x1  }
0xa3: {  	[sflag:s23] =	ssyncset.done $0x0  }
0xa4: {  	s25 =	simm.s32 $0x1B8E;
	s24 =	sld [smem:$0x3FFE];
	[sflag:s23] =	ssyncadd.s32 $0xFFFFFFFF  }
0xa5: {  	s26 =	simm.s32 $execute0_lowered;
	[smem:$0x3FD2] =	sst s25  }
0xa6: {  	s4 =	sshll.u32 s26, $0x1;
	_ =	strace $0x80000046;
	[dreg:$0x1] =	wrdreg $0xFFFFFFFF  }
0xa7: {  	s28 =	simm.s32 $_size_execute0_lowered;
	s2 =	sadd.s32 s2, s4;
	[dreg:$0x0] =	wrdreg $0x0  }
0xa8: {  	s4 =	sshll.u32 s28, $0x1;
	[dreg:$0x2] =	wrdreg s2  }
0xa9: {  	[dreg:$0x3] =	wrdreg s4  }
0xaa: {  	[dreg:$0x4] =	wrdreg $0xC0  }
0xab: {  	_ =	task [dreg:s6], $0x5FFFF  }
0xac: {  	[dreg:$0x1] =	wrdreg $0xFFFFFFFF  }
0xad: {  	[dreg:$0x0] =	wrdreg $0x60  }
0xae: {  	[dreg:$0x2] =	wrdreg s24  }
0xaf: {  	[dreg:$0x3] =	wrdreg $0x9  }
0xb0: {  	_ =	task.clear_ibuf [dreg:s6], $0x4FFFF;
	_ =	strace $0x90000046  }
0xb1: {  	s29 =	simm.s32 $0x9;
	_ =	strace $0x80000048  }
0xb2: {  	_ =	swait.ge [sflag:s29], $0x1  }
0xb3: {  	[sflag:s29] =	ssyncadd.s32 $0xFFFFFFFF  }
0xb4: {  	_ =	strace $0x90000048  }
0xb5: {  	_ =	sfence  }
0xb6: {  	s30 =	sld [smem:$0x0];
	_ =	sdelay $0x2  }
0xb7: {  	s31 =	sshll.u32 s1, $0xD;
	s1 =	sshrl.u32 s1, $0x2  }
0xb8: {  	s3 =	sand.u32 $0x4000, s31;
	s1 =	sadd.s32 s1, s30  }
0xb9: {  	s0 =	sor.u32 s3, s0;
	s1 =	sshll.u32 s1, $0x11  }
0xba: {  	s0 =	sor.u32 s1, s0  }
0xbb: {  	s0 =	sadd.s32 $0x8F2B, s0  }
0xbc: {  	[sflag:s0] =	ssyncadd.remote.s32 $0x1  }
0xbd: {  	_ =	sfence.sel $0xFFFF  }
0xbe: {  	[dreg:$0x0] =	wrdreg $0xFFFFFFFF;
	(pc) =	sbr.abs _section_cstart, $3  }
0xbf: {  	[dreg:$0x1] =	wrdreg $0xFFFFFFFF  }
0xc0: {  	_ =	task.clear_ibuf [dreg:s6], $0x2FFFF;
	_ =	strace $0x9FFFFFFF  }
0xc1: {  	(tm) =	ssettm $0x7FFFFFFF  }
tec
execute0_lowered:
.L_overlay_start_1:
0x0: {  	(tag) =	ssettag $0x1  }
0x1: {  	s1 =	srdreg.scid;
	s0 =	stileid.u32  }
0x2: {  	s19 =	sand.u32 $0x1, s1;
	s30 =	sshll.u32 s0, $0x1  }
0x3: {  	s1 =	sor.u32 s19, s30  }
0x4: {  	s2 =	rddreg [dreg:$0x0];
	s3 =	simm.s32 $0x0;
	s4 =	smul.u32 $0x14, s1  }
0x5: {  	[smem:$0x7FF] =	sst s3  }
0x6: {  	s1 =	rddreg [dreg:$0x1];
	s20 =	sadd.s32 s4, s2  }
0x7: {  	_ =	strace $0x80000047;
	s4 =	simm.s32 $0x2;
	s5 =	sadd.s32 $0x1400, s20  }
0x8: {  	[tilespmem:s3], [sflag:$0x2] =	stream.linear.gather [hbm4b:s5+s3], $0xA0, $0x38;
	[tilespmem:$0x200] =	vst v63  }
0x9: {  	_ =	swait.ge [sflag:s4], $0xA0  }
0xa: {  	s7 =	simm.s32 $0xA0;
	s8 =	simm.s32 $0x100;
	[sflag:s4] =	ssyncset.done $0x0  }
0xb: {  	s9 =	simm.s32 $0x1;
	s6 =	sadd.s32 $0x400, s2;
	[sflag:s4] =	ssyncadd.s32 $0xFFFFFF60  }
0xc: {  	[tilespmem:s8], [sflag:$0x1] =	stream.indirect.gather [hbm4b:s6+s7], $0x1, s3, s7, $0xb8;
	[tilespmem:$0x200] =	vst v63  }
0xd: {  	_ =	swait.ge [sflag:s9], $0xA0  }
0xe: {  	[sflag:s9] =	ssyncset.done $0x0  }
0xf: {  	s10 =	sadd.s32 $0x2C00, s20;
	[sflag:s9] =	ssyncadd.s32 $0xFFFFFF60  }
0x10: {  	[hbm4b:s10+s3] =	stream.linear.scatter [tilespmem:s8], [sflag:$0x2], $0xA0, $0x38;
	[tilespmem:$0x200] =	vst v63  }
0x11: {  	_ =	swait.ge [sflag:s4], $0xA0  }
0x12: {  	[sflag:s4] =	ssyncset.done $0x0  }
0x13: {  	s11 =	sadd.s32 $0x800, s2;
	[sflag:s4] =	ssyncadd.s32 $0xFFFFFF60  }
0x14: {  	[tilespmem:s8], [sflag:$0x1] =	stream.indirect.gather [hbm4b:s11+s7], $0x1, s3, s7, $0xb8;
	[tilespmem:$0x200] =	vst v63  }
0x15: {  	_ =	swait.ge [sflag:s9], $0xA0  }
0x16: {  	[sflag:s9] =	ssyncset.done $0x0  }
0x17: {  	s12 =	sadd.s32 $0x1C00, s20;
	[sflag:s9] =	ssyncadd.s32 $0xFFFFFF60  }
0x18: {  	[hbm4b:s12+s3] =	stream.linear.scatter [tilespmem:s8], [sflag:$0x2], $0xA0, $0x38;
	[tilespmem:$0x200] =	vst v63  }
0x19: {  	_ =	swait.ge [sflag:s4], $0xA0  }
0x1a: {  	[sflag:s4] =	ssyncset.done $0x0  }
0x1b: {  	s13 =	sadd.s32 $0xC00, s2;
	[sflag:s4] =	ssyncadd.s32 $0xFFFFFF60  }
0x1c: {  	[tilespmem:s8], [sflag:$0x1] =	stream.indirect.gather [hbm4b:s13+s7], $0x1, s3, s7, $0xb8;
	[tilespmem:$0x200] =	vst v63  }
0x1d: {  	_ =	swait.ge [sflag:s9], $0xA0  }
0x1e: {  	[sflag:s9] =	ssyncset.done $0x0  }
0x1f: {  	s14 =	sadd.s32 $0x2000, s20;
	[sflag:s9] =	ssyncadd.s32 $0xFFFFFF60  }
0x20: {  	[hbm4b:s14+s3] =	stream.linear.scatter [tilespmem:s8], [sflag:$0x2], $0xA0, $0x38;
	[tilespmem:$0x200] =	vst v63  }
0x21: {  	_ =	swait.ge [sflag:s4], $0xA0  }
0x22: {  	[sflag:s4] =	ssyncset.done $0x0  }
0x23: {  	s15 =	sadd.s32 $0x1000, s2;
	[sflag:s4] =	ssyncadd.s32 $0xFFFFFF60  }
0x24: {  	[tilespmem:s8], [sflag:$0x1] =	stream.indirect.gather [hbm4b:s15+s7], $0x1, s3, s7, $0xb8;
	[tilespmem:$0x200] =	vst v63  }
0x25: {  	_ =	swait.ge [sflag:s9], $0xA0  }
0x26: {  	[sflag:s9] =	ssyncset.done $0x0  }
0x27: {  	s16 =	sadd.s32 $0x2400, s20;
	[sflag:s9] =	ssyncadd.s32 $0xFFFFFF60  }
0x28: {  	[hbm4b:s16+s3] =	stream.linear.scatter [tilespmem:s8], [sflag:$0x2], $0xA0, $0x38;
	[tilespmem:$0x200] =	vst v63  }
0x29: {  	_ =	swait.ge [sflag:s4], $0xA0  }
0x2a: {  	[sflag:s4] =	ssyncset.done $0x0  }
0x2b: {  	[sflag:s4] =	ssyncadd.s32 $0xFFFFFF60  }
0x2c: {  	[tilespmem:s8], [sflag:$0x1] =	stream.indirect.gather [hbm4b:s2+s7], $0x1, s3, s7, $0xb8;
	[tilespmem:$0x200] =	vst v63  }
0x2d: {  	_ =	swait.ge [sflag:s9], $0xA0  }
0x2e: {  	[sflag:s9] =	ssyncset.done $0x0  }
0x2f: {  	s19 =	ssub.s32 $0x2, s19;
	s17 =	sadd.s32 $0x3000, s20;
	[sflag:s9] =	ssyncadd.s32 $0xFFFFFF60  }
0x30: {  	[hbm4b:s17+s3] =	stream.linear.scatter [tilespmem:s8], [sflag:$0x2], $0xA0, $0x38;
	[tilespmem:$0x200] =	vst v63  }
0x31: {  	s21 =	sshrl.u32 s19, $0x1;
	_ =	swait.ge [sflag:s4], $0xA0  }
0x32: {  	s21 =	ssub.s32 s19, s21;
	[sflag:s4] =	ssyncset.done $0x0  }
0x33: {  	s18 =	sadd.s32 $0x1800, s2;
	s31 =	smax.u32 s21, $0x1;
	[sflag:s4] =	ssyncadd.s32 $0xFFFFFF60  }
0x34: {  	[tilespmem:s8], [sflag:$0x1] =	stream.indirect.gather [hbm4b:s18+s7], $0x1, s3, s7, $0xb8;
	[tilespmem:$0x200] =	vst v63  }
0x35: {  	p0 =	sne.s32 s31, $0x1;
	_ =	swait.ge [sflag:s9], $0xA0  }
.Ltmp0:
0x36: {  	[sflag:s9] =	ssyncset.done $0x0;
	(pc) =	sbr.rel @!p0 .LBB2_2-.Ltmp0, $4  }
0x37: {  	s19 =	sadd.s32 $0x2800, s20;
	[sflag:s9] =	ssyncadd.s32 $0xFFFFFF60  }
0x38: {  	[hbm4b:s19+s3] =	stream.linear.scatter [tilespmem:s8], [sflag:$0x2], $0xA0, $0x38;
	[tilespmem:$0x200] =	vst v63  }
0x39: {  	_ =	swait.ge [sflag:s4], $0xA0  }
0x3a: {  	s20 =	sadd.s32 $0xFFFFFFFF, s31;
	[sflag:s4] =	ssyncset.done $0x0  }
.LBB2_1:
0x3b: {  	p0 =	sne.s32 s20, $0x1;
	s20 =	sadd.s32 $0xFFFFFFFF, s20;
	[sflag:s4] =	ssyncadd.s32 $0xFFFFFF60  }
0x3c: {  	[tilespmem:s3], [sflag:$0x2] =	stream.linear.gather [hbm4b:s5+s3], $0xA0, $0x38;
	[tilespmem:$0x200] =	vst v63  }
0x3d: {  	_ =	swait.ge [sflag:s4], $0xA0  }
0x3e: {  	[sflag:s4] =	ssyncset.done $0x0  }
0x3f: {  	[sflag:s4] =	ssyncadd.s32 $0xFFFFFF60  }
0x40: {  	[tilespmem:s8], [sflag:$0x1] =	stream.indirect.gather [hbm4b:s6+s7], $0x1, s3, s7, $0xb8;
	[tilespmem:$0x200] =	vst v63  }
0x41: {  	_ =	swait.ge [sflag:s9], $0xA0  }
0x42: {  	[sflag:s9] =	ssyncset.done $0x0  }
0x43: {  	[sflag:s9] =	ssyncadd.s32 $0xFFFFFF60  }
0x44: {  	[hbm4b:s10+s3] =	stream.linear.scatter [tilespmem:s8], [sflag:$0x2], $0xA0, $0x38;
	[tilespmem:$0x200] =	vst v63  }
0x45: {  	_ =	swait.ge [sflag:s4], $0xA0  }
0x46: {  	[sflag:s4] =	ssyncset.done $0x0  }
0x47: {  	[sflag:s4] =	ssyncadd.s32 $0xFFFFFF60  }
0x48: {  	[tilespmem:s8], [sflag:$0x1] =	stream.indirect.gather [hbm4b:s11+s7], $0x1, s3, s7, $0xb8;
	[tilespmem:$0x200] =	vst v63  }
0x49: {  	_ =	swait.ge [sflag:s9], $0xA0  }
0x4a: {  	[sflag:s9] =	ssyncset.done $0x0  }
0x4b: {  	[sflag:s9] =	ssyncadd.s32 $0xFFFFFF60  }
0x4c: {  	[hbm4b:s12+s3] =	stream.linear.scatter [tilespmem:s8], [sflag:$0x2], $0xA0, $0x38;
	[tilespmem:$0x200] =	vst v63  }
0x4d: {  	_ =	swait.ge [sflag:s4], $0xA0  }
0x4e: {  	[sflag:s4] =	ssyncset.done $0x0  }
0x4f: {  	[sflag:s4] =	ssyncadd.s32 $0xFFFFFF60  }
0x50: {  	[tilespmem:s8], [sflag:$0x1] =	stream.indirect.gather [hbm4b:s13+s7], $0x1, s3, s7, $0xb8;
	[tilespmem:$0x200] =	vst v63  }
0x51: {  	_ =	swait.ge [sflag:s9], $0xA0  }
0x52: {  	[sflag:s9] =	ssyncset.done $0x0  }
0x53: {  	[sflag:s9] =	ssyncadd.s32 $0xFFFFFF60  }
0x54: {  	[hbm4b:s14+s3] =	stream.linear.scatter [tilespmem:s8], [sflag:$0x2], $0xA0, $0x38;
	[tilespmem:$0x200] =	vst v63  }
0x55: {  	_ =	swait.ge [sflag:s4], $0xA0  }
0x56: {  	[sflag:s4] =	ssyncset.done $0x0  }
0x57: {  	[sflag:s4] =	ssyncadd.s32 $0xFFFFFF60  }
0x58: {  	[tilespmem:s8], [sflag:$0x1] =	stream.indirect.gather [hbm4b:s15+s7], $0x1, s3, s7, $0xb8;
	[tilespmem:$0x200] =	vst v63  }
0x59: {  	_ =	swait.ge [sflag:s9], $0xA0  }
0x5a: {  	[sflag:s9] =	ssyncset.done $0x0  }
0x5b: {  	[sflag:s9] =	ssyncadd.s32 $0xFFFFFF60  }
0x5c: {  	[hbm4b:s16+s3] =	stream.linear.scatter [tilespmem:s8], [sflag:$0x2], $0xA0, $0x38;
	[tilespmem:$0x200] =	vst v63  }
0x5d: {  	_ =	swait.ge [sflag:s4], $0xA0  }
0x5e: {  	[sflag:s4] =	ssyncset.done $0x0  }
0x5f: {  	[sflag:s4] =	ssyncadd.s32 $0xFFFFFF60  }
0x60: {  	[tilespmem:s8], [sflag:$0x1] =	stream.indirect.gather [hbm4b:s2+s7], $0x1, s3, s7, $0xb8;
	[tilespmem:$0x200] =	vst v63  }
0x61: {  	_ =	swait.ge [sflag:s9], $0xA0  }
0x62: {  	[sflag:s9] =	ssyncset.done $0x0  }
0x63: {  	[sflag:s9] =	ssyncadd.s32 $0xFFFFFF60  }
0x64: {  	[hbm4b:s17+s3] =	stream.linear.scatter [tilespmem:s8], [sflag:$0x2], $0xA0, $0x38;
	[tilespmem:$0x200] =	vst v63  }
0x65: {  	_ =	swait.ge [sflag:s4], $0xA0  }
0x66: {  	[sflag:s4] =	ssyncset.done $0x0  }
0x67: {  	[sflag:s4] =	ssyncadd.s32 $0xFFFFFF60  }
0x68: {  	[tilespmem:s8], [sflag:$0x1] =	stream.indirect.gather [hbm4b:s18+s7], $0x1, s3, s7, $0xb8;
	[tilespmem:$0x200] =	vst v63  }
0x69: {  	_ =	swait.ge [sflag:s9], $0xA0  }
.Ltmp1:
0x6a: {  	[sflag:s9] =	ssyncset.done $0x0;
	(pc) =	sbr.rel @p0 .LBB2_1-.Ltmp1, $4  }
0x6b: {  	[sflag:s9] =	ssyncadd.s32 $0xFFFFFF60  }
0x6c: {  	[hbm4b:s19+s3] =	stream.linear.scatter [tilespmem:s8], [sflag:$0x2], $0xA0, $0x38;
	[tilespmem:$0x200] =	vst v63  }
0x6d: {  	_ =	swait.ge [sflag:s4], $0xA0  }
0x6e: {  	[sflag:s4] =	ssyncset.done $0x0  }
.LBB2_2:
0x6f: {  	[sflag:s4] =	ssyncadd.s32 $0xFFFFFF60  }
0x70: {  	_ =	sfence.sel $0x180000  }
0x71: {  	[bflag:$0x0] =	sbarrier.arrive $0xFFFF  }
0x72: {  	p0 =	sne.s32 s0, $0x0;
	_ =	strace $0x90000047  }
0x73: {  	s0 =	sadd.s32 @!p0 $0x100000, s1;
	[bflag:$0x2] =	sbarrier.arrive $0xFFFF  }
0x74: {  	[sflag:s0] =	ssyncadd.tile.s32 @!p0 $0x1;
	_ =	shalt  }
.Lfunc_end2:
_tile_overlayer_lowered:
.L_overlay_start_2:
0x75: {  	(tag) =	ssettag $0x2  }
0x76: {  	s0 =	rddreg [dreg:$0x0];
	s2 =	stileid.u32  }
0x77: {  	s1 =	rddreg [dreg:$0x1];
	p0 =	sne.s32 s2, $0x0  }
0x78: {  	s3 =	rddreg [dreg:$0x2];
	[bflag:$0x3] =	sbarrier.arrive $0xFFFF;
	s2 =	simm.s32 @!p0 $0x1C02  }
0x79: {  	[timem:s3], [sflag:s2] =	dma.local @!p0 [hbm:s0], s1  }
0x7a: {  	s0 =	simm.s32 @!p0 $0x2  }
0x7b: {  	_ =	swait.ge @!p0 [sflag:s0], s1  }
0x7c: {  	s1 =	ssub.s32 @!p0 $0x0, s1;
	[sflag:s0] =	ssyncset.done @!p0 $0x0  }
0x7d: {  	[sflag:s0] =	ssyncadd.s32 @!p0 s1  }
0x7e: {  	[bflag:$0x3] =	sbarrier.arrive $0xFFFF  }
0x7f: {  	_ =	shalt  }

</sc_bundles>
